<compile_context>
chip_gen: v7x
topology: tpu7x:2x2x1
jax: 0.10.2.dev20260603
libtpu: 0.0.44.dev20260713+nightly
codegen_flags: <defaults>
</compile_context>

<pallas_src>
import functools

import jax
import jax.numpy as jnp
from jax import lax
from jax.experimental import pallas as pl
from jax.experimental.pallas import tpu as pltpu
from jax.experimental.pallas import tpu_sc as plsc

VOCAB = 100000
EMBED_DIM = 128
BATCH = 4096
HIST = 50

_INFO = plsc.get_sparse_core_info()
_NC = _INFO.num_cores
_NS = _INFO.num_subcores
_NW = _NC * _NS

_B = BATCH * HIST
_PER_W = _B // _NW
_CHUNK = 128
_NCH = _PER_W // _CHUNK
_NBUF = 5
_LOOK = 2


@functools.partial(
    pl.kernel,
    mesh=plsc.VectorSubcoreMesh(core_axis_name="c", subcore_axis_name="s"),
    out_type=jax.ShapeDtypeStruct((_B, EMBED_DIM), jnp.float32),
    scratch_types=[
        pltpu.VMEM((_PER_W,), jnp.int32),
        pltpu.VMEM((_NBUF, _CHUNK, EMBED_DIM), jnp.float32),
        pltpu.SemaphoreType.DMA((_NBUF,)),
        pltpu.SemaphoreType.DMA((_NBUF,)),
    ],
)
def _gather_kernel(table_hbm, idx_hbm, out_hbm, idx_v, rows_v, gsem, ssem):
    wid = lax.axis_index("s") * _NC + lax.axis_index("c")
    base = wid * _PER_W
    pltpu.sync_copy(idx_hbm.at[pl.ds(base, _PER_W)], idx_v)

    def issue_gather(j, b):
        pltpu.async_copy(
            table_hbm.at[idx_v.at[pl.ds(j * _CHUNK, _CHUNK)]], rows_v.at[b], gsem.at[b]
        )

    def wait_gather(b):
        pltpu.make_async_copy(
            table_hbm.at[idx_v.at[pl.ds(0, _CHUNK)]], rows_v.at[b], gsem.at[b]
        ).wait()

    def issue_store(j, b):
        pltpu.async_copy(
            rows_v.at[b], out_hbm.at[pl.ds(base + j * _CHUNK, _CHUNK)], ssem.at[b]
        )

    def wait_store(b):
        pltpu.make_async_copy(
            rows_v.at[b], out_hbm.at[pl.ds(base, _CHUNK)], ssem.at[b]
        ).wait()

    def step(j, b, do_wait_store, do_issue_gather):
        wait_gather(b)
        issue_store(j, b)
        if do_issue_gather:
            bn = (b + _LOOK) % _NBUF
            if do_wait_store:
                wait_store(bn)
            issue_gather(j + _LOOK, bn)

    for jp in range(_LOOK):
        issue_gather(jp, jp)

    for b in range(_NBUF):
        step(b, b, b >= _NBUF - _LOOK, True)

    def body(g, carry):
        j0 = g * _NBUF
        for b in range(_NBUF):
            step(j0 + b, b, True, True)
        return carry

    lax.fori_loop(1, _NCH // _NBUF - 1, body, 0)

    for b in range(_NBUF):
        j = _NCH - _NBUF + b
        step(j, b, True, j + _LOOK < _NCH)

    for j in range(_NCH - _NBUF, _NCH):
        wait_store(j % _NBUF)


def kernel(token_ids, table):
    idx = token_ids.astype(jnp.int32).T.reshape(_B)
    out = _gather_kernel(table, idx)
    return out.reshape(HIST, BATCH, EMBED_DIM).transpose(1, 0, 2)

# --- scband reference (transcript-rebuilt; emitter-appended) ---
"""Pipeline reference for scband-embedding-layer-515396075648 (READ-ONLY COPY).

The authoritative reference and input builder live on the scoring server;
editing this copy changes nothing except your own understanding.
"""

import jax, jax.numpy as jnp
import numpy as np

VOCAB = 100000
EMBED_DIM = 128
BATCH = 4096
HIST = 50

def setup_inputs(seed: int = 0) -> dict:
    key = jax.random.key(seed)
    k_idx, k_tab = jax.random.split(key)
    token_ids = jax.random.randint(k_idx, (BATCH, HIST), 0, VOCAB, dtype=jnp.int64 if jax.config.jax_enable_x64 else jnp.int32)
    # Embedding table, initialized like nn.Embedding (N(0,1))
    table = jax.random.normal(k_tab, (VOCAB, EMBED_DIM), dtype=jnp.float32)
    return {"token_ids": token_ids, "table": table}

def reference(token_ids, table):
    # Faithful embedding lookup: out[b, t, :] = table[token_ids[b, t], :]
    return jnp.take(table, token_ids, axis=0)

if __name__ == "__main__":
    import jax
    _d = setup_inputs()
    print(jax.jit(kernel)(*tuple(_d.values())))

</pallas_src>

<mosaic_0001>
#map = affine_map<(d0, d1) -> (0, 0)>
#map1 = affine_map<(d0, d1) -> (0)>
module attributes {stable_mosaic.version = 14 : i64} {
  func.func @_gather_kernel(%arg0: i32, %arg1: i32, %arg2: memref<100000x128xf32, #tpu.memory_space<hbm>>, %arg3: memref<204800xi32, #tpu.memory_space<hbm>>, %arg4: memref<204800x128xf32, #tpu.memory_space<hbm>>, %arg5: memref<6400xi32, #tpu.memory_space<vmem>>, %arg6: memref<5x128x128xf32, #tpu.memory_space<vmem>>, %arg7: memref<5x!tpu.dma_semaphore, #tpu.memory_space<semaphore_mem>>, %arg8: memref<5x!tpu.dma_semaphore, #tpu.memory_space<semaphore_mem>>) attributes {dimension_semantics = [#tpu.dimension_semantics<core_parallel>, #tpu.dimension_semantics<subcore_parallel>], iteration_bounds = array<i64: 2, 16>, scalar_prefetch = 0 : i64, scratch_operands = 4 : i64, tpu.core_type = #tpu.core_type<sc_vector_subcore>, window_params = [{transform_indices = #map}, {transform_indices = #map1}, {transform_indices = #map}]} {
    %mul3A = arith.constant 2 : i32
    %mul3A_0 = arith.muli %arg1, %mul3A : i32
    %add3A = arith.addi %mul3A_0, %arg0 : i32
    %mul3A_1 = arith.constant 6400 : i32
    %mul3A_2 = arith.muli %add3A, %mul3A_1 : i32
    "tpu.region"() ({
      %run_scoped3A = tpu.sem_alloc : memref<!tpu.dma_semaphore, #tpu.memory_space<semaphore_mem>>
      %dma_start3A_606 = tpu.memref_slice %arg3[%mul3A_2] : memref<204800xi32, #tpu.memory_space<hbm>> -> memref<6400xi32, #tpu.memory_space<hbm>>
      %dma_start3A_607 = tpu.memref_slice %arg3[%mul3A_2] : memref<204800xi32, #tpu.memory_space<hbm>> -> memref<6400xi32, #tpu.memory_space<hbm>>
      tpu.enqueue_dma source(%dma_start3A_607 : memref<6400xi32, #tpu.memory_space<hbm>>) target(%arg5 : memref<6400xi32, #tpu.memory_space<vmem>>) target_semaphore(%run_scoped3A : memref<!tpu.dma_semaphore, #tpu.memory_space<semaphore_mem>>)
      %dma_wait3A_608 = tpu.memref_slice %arg3[%mul3A_2] : memref<204800xi32, #tpu.memory_space<hbm>> -> memref<6400xi32, #tpu.memory_space<hbm>>
      %dma_wait3A_609 = tpu.memref_slice %arg3[%mul3A_2] : memref<204800xi32, #tpu.memory_space<hbm>> -> memref<6400xi32, #tpu.memory_space<hbm>>
      tpu.wait_dma2 semaphore(%run_scoped3A : memref<!tpu.dma_semaphore, #tpu.memory_space<semaphore_mem>>) src(%dma_wait3A_609 : memref<6400xi32, #tpu.memory_space<hbm>>) dst(%arg5 : memref<6400xi32, #tpu.memory_space<vmem>>)
      tpu.yield
    }) : () -> ()
    %dma_start3A = arith.constant 0 : i32
    %dma_start3A_3 = arith.constant 0 : i32
    %dma_start3A_4 = arith.constant 0 : i32
    %dma_start3A_5 = arith.constant 0 : i32
    %dma_start3A_6 = tpu.memref_slice %arg6[%dma_start3A, %dma_start3A_4, %dma_start3A_5] : memref<5x128x128xf32, #tpu.memory_space<vmem>> -> memref<1x128x128xf32, #tpu.memory_space<vmem>>
    %dma_start3A_7 = tpu.memref_squeeze %dma_start3A_6 : memref<1x128x128xf32, #tpu.memory_space<vmem>> -> memref<128x128xf32, #tpu.memory_space<vmem>>
    %dma_start3A_8 = arith.constant 0 : i32
    %dma_start3A_9 = tpu.memref_slice %arg5[%dma_start3A_8] : memref<6400xi32, #tpu.memory_space<vmem>> -> memref<128xi32, #tpu.memory_space<vmem>>
    %dma_start3A_10 = arith.constant 0 : i32
    %dma_start3A_11 = arith.constant 0 : i32
    %dma_start3A_12 = tpu.memref_slice %arg2[%dma_start3A_10, %dma_start3A_11] : memref<100000x128xf32, #tpu.memory_space<hbm>> -> memref<100000x128xf32, #tpu.memory_space<hbm>>
    %dma_start3A_13 = tpu.memref_slice %arg7[%dma_start3A_3] : memref<5x!tpu.dma_semaphore, #tpu.memory_space<semaphore_mem>> -> memref<1x!tpu.dma_semaphore, #tpu.memory_space<semaphore_mem>>
    %dma_start3A_14 = tpu.memref_squeeze %dma_start3A_13 : memref<1x!tpu.dma_semaphore, #tpu.memory_space<semaphore_mem>> -> memref<!tpu.dma_semaphore, #tpu.memory_space<semaphore_mem>>
    tpu.enqueue_indirect_dma source(%dma_start3A_12 : memref<100000x128xf32, #tpu.memory_space<hbm>>) target(%dma_start3A_7 : memref<128x128xf32, #tpu.memory_space<vmem>>) offsets(%dma_start3A_9 : memref<128xi32, #tpu.memory_space<vmem>>) semaphore(%dma_start3A_14 : memref<!tpu.dma_semaphore, #tpu.memory_space<semaphore_mem>>)
    %dma_start3A_15 = arith.constant 1 : i32
    %dma_start3A_16 = arith.constant 1 : i32
    %dma_start3A_17 = arith.constant 0 : i32
    %dma_start3A_18 = arith.constant 0 : i32
    %dma_start3A_19 = tpu.memref_slice %arg6[%dma_start3A_15, %dma_start3A_17, %dma_start3A_18] : memref<5x128x128xf32, #tpu.memory_space<vmem>> -> memref<1x128x128xf32, #tpu.memory_space<vmem>>
    %dma_start3A_20 = tpu.memref_squeeze %dma_start3A_19 : memref<1x128x128xf32, #tpu.memory_space<vmem>> -> memref<128x128xf32, #tpu.memory_space<vmem>>
    %dma_start3A_21 = arith.constant 128 : i32
    %dma_start3A_22 = tpu.memref_slice %arg5[%dma_start3A_21] : memref<6400xi32, #tpu.memory_space<vmem>> -> memref<128xi32, #tpu.memory_space<vmem>>
    %dma_start3A_23 = arith.constant 0 : i32
    %dma_start3A_24 = arith.constant 0 : i32
    %dma_start3A_25 = tpu.memref_slice %arg2[%dma_start3A_23, %dma_start3A_24] : memref<100000x128xf32, #tpu.memory_space<hbm>> -> memref<100000x128xf32, #tpu.memory_space<hbm>>
    %dma_start3A_26 = tpu.memref_slice %arg7[%dma_start3A_16] : memref<5x!tpu.dma_semaphore, #tpu.memory_space<semaphore_mem>> -> memref<1x!tpu.dma_semaphore, #tpu.memory_space<semaphore_mem>>
    %dma_start3A_27 = tpu.memref_squeeze %dma_start3A_26 : memref<1x!tpu.dma_semaphore, #tpu.memory_space<semaphore_mem>> -> memref<!tpu.dma_semaphore, #tpu.memory_space<semaphore_mem>>
    tpu.enqueue_indirect_dma source(%dma_start3A_25 : memref<100000x128xf32, #tpu.memory_space<hbm>>) target(%dma_start3A_20 : memref<128x128xf32, #tpu.memory_space<vmem>>) offsets(%dma_start3A_22 : memref<128xi32, #tpu.memory_space<vmem>>) semaphore(%dma_start3A_27 : memref<!tpu.dma_semaphore, #tpu.memory_space<semaphore_mem>>)
    %dma_wait3A = arith.constant 0 : i32
    %dma_wait3A_28 = arith.constant 0 : i32
    %dma_wait3A_29 = arith.constant 0 : i32
    %dma_wait3A_30 = arith.constant 0 : i32
    %dma_wait3A_31 = tpu.memref_slice %arg6[%dma_wait3A, %dma_wait3A_29, %dma_wait3A_30] : memref<5x128x128xf32, #tpu.memory_space<vmem>> -> memref<1x128x128xf32, #tpu.memory_space<vmem>>
    %dma_wait3A_32 = tpu.memref_squeeze %dma_wait3A_31 : memref<1x128x128xf32, #tpu.memory_space<vmem>> -> memref<128x128xf32, #tpu.memory_space<vmem>>
    %dma_wait3A_33 = arith.constant 0 : i32
    %dma_wait3A_34 = tpu.memref_slice %arg5[%dma_wait3A_33] : memref<6400xi32, #tpu.memory_space<vmem>> -> memref<128xi32, #tpu.memory_space<vmem>>
    %dma_wait3A_35 = arith.constant 0 : i32
    %dma_wait3A_36 = arith.constant 0 : i32
    %dma_wait3A_37 = tpu.memref_slice %arg2[%dma_wait3A_35, %dma_wait3A_36] : memref<100000x128xf32, #tpu.memory_space<hbm>> -> memref<100000x128xf32, #tpu.memory_space<hbm>>
    %dma_wait3A_38 = tpu.memref_slice %arg7[%dma_wait3A_28] : memref<5x!tpu.dma_semaphore, #tpu.memory_space<semaphore_mem>> -> memref<1x!tpu.dma_semaphore, #tpu.memory_space<semaphore_mem>>
    %dma_wait3A_39 = tpu.memref_squeeze %dma_wait3A_38 : memref<1x!tpu.dma_semaphore, #tpu.memory_space<semaphore_mem>> -> memref<!tpu.dma_semaphore, #tpu.memory_space<semaphore_mem>>
    tpu.wait_indirect_dma semaphore(%dma_wait3A_39 : memref<!tpu.dma_semaphore, #tpu.memory_space<semaphore_mem>>) src(%dma_wait3A_37 : memref<100000x128xf32, #tpu.memory_space<hbm>>) dst(%dma_wait3A_32 : memref<128x128xf32, #tpu.memory_space<vmem>>)
    %add3A_40 = arith.constant 0 : i32
    %add3A_41 = arith.addi %mul3A_2, %add3A_40 : i32
    %dma_start3A_42 = arith.constant 0 : i32
    %dma_start3A_43 = arith.constant 0 : i32
    %dma_start3A_44 = arith.constant 0 : i32
    %dma_start3A_45 = arith.constant 0 : i32
    %dma_start3A_46 = tpu.memref_slice %arg6[%dma_start3A_42, %dma_start3A_44, %dma_start3A_45] : memref<5x128x128xf32, #tpu.memory_space<vmem>> -> memref<1x128x128xf32, #tpu.memory_space<vmem>>
    %dma_start3A_47 = tpu.memref_squeeze %dma_start3A_46 : memref<1x128x128xf32, #tpu.memory_space<vmem>> -> memref<128x128xf32, #tpu.memory_space<vmem>>
    %dma_start3A_48 = arith.constant 0 : i32
    %dma_start3A_49 = tpu.memref_slice %arg4[%add3A_41, %dma_start3A_48] : memref<204800x128xf32, #tpu.memory_space<hbm>> -> memref<128x128xf32, #tpu.memory_space<hbm>>
    %dma_start3A_50 = tpu.memref_slice %arg8[%dma_start3A_43] : memref<5x!tpu.dma_semaphore, #tpu.memory_space<semaphore_mem>> -> memref<1x!tpu.dma_semaphore, #tpu.memory_space<semaphore_mem>>
    %dma_start3A_51 = tpu.memref_squeeze %dma_start3A_50 : memref<1x!tpu.dma_semaphore, #tpu.memory_space<semaphore_mem>> -> memref<!tpu.dma_semaphore, #tpu.memory_space<semaphore_mem>>
    %dma_start3A_52 = arith.constant 0 : i32
    %dma_start3A_53 = tpu.memref_slice %arg4[%add3A_41, %dma_start3A_52] : memref<204800x128xf32, #tpu.memory_space<hbm>> -> memref<128x128xf32, #tpu.memory_space<hbm>>
    %dma_start3A_54 = arith.constant 0 : i32
    %dma_start3A_55 = arith.constant 0 : i32
    %dma_start3A_56 = tpu.memref_slice %arg6[%dma_start3A_42, %dma_start3A_54, %dma_start3A_55] : memref<5x128x128xf32, #tpu.memory_space<vmem>> -> memref<1x128x128xf32, #tpu.memory_space<vmem>>
    %dma_start3A_57 = tpu.memref_squeeze %dma_start3A_56 : memref<1x128x128xf32, #tpu.memory_space<vmem>> -> memref<128x128xf32, #tpu.memory_space<vmem>>
    tpu.enqueue_dma source(%dma_start3A_57 : memref<128x128xf32, #tpu.memory_space<vmem>>) target(%dma_start3A_53 : memref<128x128xf32, #tpu.memory_space<hbm>>) target_semaphore(%dma_start3A_51 : memref<!tpu.dma_semaphore, #tpu.memory_space<semaphore_mem>>)
    %dma_start3A_58 = arith.constant 2 : i32
    %dma_start3A_59 = arith.constant 2 : i32
    %dma_start3A_60 = arith.constant 0 : i32
    %dma_start3A_61 = arith.constant 0 : i32
    %dma_start3A_62 = tpu.memref_slice %arg6[%dma_start3A_58, %dma_start3A_60, %dma_start3A_61] : memref<5x128x128xf32, #tpu.memory_space<vmem>> -> memref<1x128x128xf32, #tpu.memory_space<vmem>>
    %dma_start3A_63 = tpu.memref_squeeze %dma_start3A_62 : memref<1x128x128xf32, #tpu.memory_space<vmem>> -> memref<128x128xf32, #tpu.memory_space<vmem>>
    %dma_start3A_64 = arith.constant 256 : i32
    %dma_start3A_65 = tpu.memref_slice %arg5[%dma_start3A_64] : memref<6400xi32, #tpu.memory_space<vmem>> -> memref<128xi32, #tpu.memory_space<vmem>>
    %dma_start3A_66 = arith.constant 0 : i32
    %dma_start3A_67 = arith.constant 0 : i32
    %dma_start3A_68 = tpu.memref_slice %arg2[%dma_start3A_66, %dma_start3A_67] : memref<100000x128xf32, #tpu.memory_space<hbm>> -> memref<100000x128xf32, #tpu.memory_space<hbm>>
    %dma_start3A_69 = tpu.memref_slice %arg7[%dma_start3A_59] : memref<5x!tpu.dma_semaphore, #tpu.memory_space<semaphore_mem>> -> memref<1x!tpu.dma_semaphore, #tpu.memory_space<semaphore_mem>>
    %dma_start3A_70 = tpu.memref_squeeze %dma_start3A_69 : memref<1x!tpu.dma_semaphore, #tpu.memory_space<semaphore_mem>> -> memref<!tpu.dma_semaphore, #tpu.memory_space<semaphore_mem>>
    tpu.enqueue_indirect_dma source(%dma_start3A_68 : memref<100000x128xf32, #tpu.memory_space<hbm>>) target(%dma_start3A_63 : memref<128x128xf32, #tpu.memory_space<vmem>>) offsets(%dma_start3A_65 : memref<128xi32, #tpu.memory_space<vmem>>) semaphore(%dma_start3A_70 : memref<!tpu.dma_semaphore, #tpu.memory_space<semaphore_mem>>)
    %dma_wait3A_71 = arith.constant 1 : i32
    %dma_wait3A_72 = arith.constant 1 : i32
    %dma_wait3A_73 = arith.constant 0 : i32
    %dma_wait3A_74 = arith.constant 0 : i32
    %dma_wait3A_75 = tpu.memref_slice %arg6[%dma_wait3A_71, %dma_wait3A_73, %dma_wait3A_74] : memref<5x128x128xf32, #tpu.memory_space<vmem>> -> memref<1x128x128xf32, #tpu.memory_space<vmem>>
    %dma_wait3A_76 = tpu.memref_squeeze %dma_wait3A_75 : memref<1x128x128xf32, #tpu.memory_space<vmem>> -> memref<128x128xf32, #tpu.memory_space<vmem>>
    %dma_wait3A_77 = arith.constant 0 : i32
    %dma_wait3A_78 = tpu.memref_slice %arg5[%dma_wait3A_77] : memref<6400xi32, #tpu.memory_space<vmem>> -> memref<128xi32, #tpu.memory_space<vmem>>
    %dma_wait3A_79 = arith.constant 0 : i32
    %dma_wait3A_80 = arith.constant 0 : i32
    %dma_wait3A_81 = tpu.memref_slice %arg2[%dma_wait3A_79, %dma_wait3A_80] : memref<100000x128xf32, #tpu.memory_space<hbm>> -> memref<100000x128xf32, #tpu.memory_space<hbm>>
    %dma_wait3A_82 = tpu.memref_slice %arg7[%dma_wait3A_72] : memref<5x!tpu.dma_semaphore, #tpu.memory_space<semaphore_mem>> -> memref<1x!tpu.dma_semaphore, #tpu.memory_space<semaphore_mem>>
    %dma_wait3A_83 = tpu.memref_squeeze %dma_wait3A_82 : memref<1x!tpu.dma_semaphore, #tpu.memory_space<semaphore_mem>> -> memref<!tpu.dma_semaphore, #tpu.memory_space<semaphore_mem>>
    tpu.wait_indirect_dma semaphore(%dma_wait3A_83 : memref<!tpu.dma_semaphore, #tpu.memory_space<semaphore_mem>>) src(%dma_wait3A_81 : memref<100000x128xf32, #tpu.memory_space<hbm>>) dst(%dma_wait3A_76 : memref<128x128xf32, #tpu.memory_space<vmem>>)
    %add3A_84 = arith.constant 128 : i32
    %add3A_85 = arith.addi %mul3A_2, %add3A_84 : i32
    %dma_start3A_86 = arith.constant 1 : i32
    %dma_start3A_87 = arith.constant 1 : i32
    %dma_start3A_88 = arith.constant 0 : i32
    %dma_start3A_89 = arith.constant 0 : i32
    %dma_start3A_90 = tpu.memref_slice %arg6[%dma_start3A_86, %dma_start3A_88, %dma_start3A_89] : memref<5x128x128xf32, #tpu.memory_space<vmem>> -> memref<1x128x128xf32, #tpu.memory_space<vmem>>
    %dma_start3A_91 = tpu.memref_squeeze %dma_start3A_90 : memref<1x128x128xf32, #tpu.memory_space<vmem>> -> memref<128x128xf32, #tpu.memory_space<vmem>>
    %dma_start3A_92 = arith.constant 0 : i32
    %dma_start3A_93 = tpu.memref_slice %arg4[%add3A_85, %dma_start3A_92] : memref<204800x128xf32, #tpu.memory_space<hbm>> -> memref<128x128xf32, #tpu.memory_space<hbm>>
    %dma_start3A_94 = tpu.memref_slice %arg8[%dma_start3A_87] : memref<5x!tpu.dma_semaphore, #tpu.memory_space<semaphore_mem>> -> memref<1x!tpu.dma_semaphore, #tpu.memory_space<semaphore_mem>>
    %dma_start3A_95 = tpu.memref_squeeze %dma_start3A_94 : memref<1x!tpu.dma_semaphore, #tpu.memory_space<semaphore_mem>> -> memref<!tpu.dma_semaphore, #tpu.memory_space<semaphore_mem>>
    %dma_start3A_96 = arith.constant 0 : i32
    %dma_start3A_97 = tpu.memref_slice %arg4[%add3A_85, %dma_start3A_96] : memref<204800x128xf32, #tpu.memory_space<hbm>> -> memref<128x128xf32, #tpu.memory_space<hbm>>
    %dma_start3A_98 = arith.constant 0 : i32
    %dma_start3A_99 = arith.constant 0 : i32
    %dma_start3A_100 = tpu.memref_slice %arg6[%dma_start3A_86, %dma_start3A_98, %dma_start3A_99] : memref<5x128x128xf32, #tpu.memory_space<vmem>> -> memref<1x128x128xf32, #tpu.memory_space<vmem>>
    %dma_start3A_101 = tpu.memref_squeeze %dma_start3A_100 : memref<1x128x128xf32, #tpu.memory_space<vmem>> -> memref<128x128xf32, #tpu.memory_space<vmem>>
    tpu.enqueue_dma source(%dma_start3A_101 : memref<128x128xf32, #tpu.memory_space<vmem>>) target(%dma_start3A_97 : memref<128x128xf32, #tpu.memory_space<hbm>>) target_semaphore(%dma_start3A_95 : memref<!tpu.dma_semaphore, #tpu.memory_space<semaphore_mem>>)
    %dma_start3A_102 = arith.constant 3 : i32
    %dma_start3A_103 = arith.constant 3 : i32
    %dma_start3A_104 = arith.constant 0 : i32
    %dma_start3A_105 = arith.constant 0 : i32
    %dma_start3A_106 = tpu.memref_slice %arg6[%dma_start3A_102, %dma_start3A_104, %dma_start3A_105] : memref<5x128x128xf32, #tpu.memory_space<vmem>> -> memref<1x128x128xf32, #tpu.memory_space<vmem>>
    %dma_start3A_107 = tpu.memref_squeeze %dma_start3A_106 : memref<1x128x128xf32, #tpu.memory_space<vmem>> -> memref<128x128xf32, #tpu.memory_space<vmem>>
    %dma_start3A_108 = arith.constant 384 : i32
    %dma_start3A_109 = tpu.memref_slice %arg5[%dma_start3A_108] : memref<6400xi32, #tpu.memory_space<vmem>> -> memref<128xi32, #tpu.memory_space<vmem>>
    %dma_start3A_110 = arith.constant 0 : i32
    %dma_start3A_111 = arith.constant 0 : i32
    %dma_start3A_112 = tpu.memref_slice %arg2[%dma_start3A_110, %dma_start3A_111] : memref<100000x128xf32, #tpu.memory_space<hbm>> -> memref<100000x128xf32, #tpu.memory_space<hbm>>
    %dma_start3A_113 = tpu.memref_slice %arg7[%dma_start3A_103] : memref<5x!tpu.dma_semaphore, #tpu.memory_space<semaphore_mem>> -> memref<1x!tpu.dma_semaphore, #tpu.memory_space<semaphore_mem>>
    %dma_start3A_114 = tpu.memref_squeeze %dma_start3A_113 : memref<1x!tpu.dma_semaphore, #tpu.memory_space<semaphore_mem>> -> memref<!tpu.dma_semaphore, #tpu.memory_space<semaphore_mem>>
    tpu.enqueue_indirect_dma source(%dma_start3A_112 : memref<100000x128xf32, #tpu.memory_space<hbm>>) target(%dma_start3A_107 : memref<128x128xf32, #tpu.memory_space<vmem>>) offsets(%dma_start3A_109 : memref<128xi32, #tpu.memory_space<vmem>>) semaphore(%dma_start3A_114 : memref<!tpu.dma_semaphore, #tpu.memory_space<semaphore_mem>>)
    %dma_wait3A_115 = arith.constant 2 : i32
    %dma_wait3A_116 = arith.constant 2 : i32
    %dma_wait3A_117 = arith.constant 0 : i32
    %dma_wait3A_118 = arith.constant 0 : i32
    %dma_wait3A_119 = tpu.memref_slice %arg6[%dma_wait3A_115, %dma_wait3A_117, %dma_wait3A_118] : memref<5x128x128xf32, #tpu.memory_space<vmem>> -> memref<1x128x128xf32, #tpu.memory_space<vmem>>
    %dma_wait3A_120 = tpu.memref_squeeze %dma_wait3A_119 : memref<1x128x128xf32, #tpu.memory_space<vmem>> -> memref<128x128xf32, #tpu.memory_space<vmem>>
    %dma_wait3A_121 = arith.constant 0 : i32
    %dma_wait3A_122 = tpu.memref_slice %arg5[%dma_wait3A_121] : memref<6400xi32, #tpu.memory_space<vmem>> -> memref<128xi32, #tpu.memory_space<vmem>>
    %dma_wait3A_123 = arith.constant 0 : i32
    %dma_wait3A_124 = arith.constant 0 : i32
    %dma_wait3A_125 = tpu.memref_slice %arg2[%dma_wait3A_123, %dma_wait3A_124] : memref<100000x128xf32, #tpu.memory_space<hbm>> -> memref<100000x128xf32, #tpu.memory_space<hbm>>
    %dma_wait3A_126 = tpu.memref_slice %arg7[%dma_wait3A_116] : memref<5x!tpu.dma_semaphore, #tpu.memory_space<semaphore_mem>> -> memref<1x!tpu.dma_semaphore, #tpu.memory_space<semaphore_mem>>
    %dma_wait3A_127 = tpu.memref_squeeze %dma_wait3A_126 : memref<1x!tpu.dma_semaphore, #tpu.memory_space<semaphore_mem>> -> memref<!tpu.dma_semaphore, #tpu.memory_space<semaphore_mem>>
    tpu.wait_indirect_dma semaphore(%dma_wait3A_127 : memref<!tpu.dma_semaphore, #tpu.memory_space<semaphore_mem>>) src(%dma_wait3A_125 : memref<100000x128xf32, #tpu.memory_space<hbm>>) dst(%dma_wait3A_120 : memref<128x128xf32, #tpu.memory_space<vmem>>)
    %add3A_128 = arith.constant 256 : i32
    %add3A_129 = arith.addi %mul3A_2, %add3A_128 : i32
    %dma_start3A_130 = arith.constant 2 : i32
    %dma_start3A_131 = arith.constant 2 : i32
    %dma_start3A_132 = arith.constant 0 : i32
    %dma_start3A_133 = arith.constant 0 : i32
    %dma_start3A_134 = tpu.memref_slice %arg6[%dma_start3A_130, %dma_start3A_132, %dma_start3A_133] : memref<5x128x128xf32, #tpu.memory_space<vmem>> -> memref<1x128x128xf32, #tpu.memory_space<vmem>>
    %dma_start3A_135 = tpu.memref_squeeze %dma_start3A_134 : memref<1x128x128xf32, #tpu.memory_space<vmem>> -> memref<128x128xf32, #tpu.memory_space<vmem>>
    %dma_start3A_136 = arith.constant 0 : i32
    %dma_start3A_137 = tpu.memref_slice %arg4[%add3A_129, %dma_start3A_136] : memref<204800x128xf32, #tpu.memory_space<hbm>> -> memref<128x128xf32, #tpu.memory_space<hbm>>
    %dma_start3A_138 = tpu.memref_slice %arg8[%dma_start3A_131] : memref<5x!tpu.dma_semaphore, #tpu.memory_space<semaphore_mem>> -> memref<1x!tpu.dma_semaphore, #tpu.memory_space<semaphore_mem>>
    %dma_start3A_139 = tpu.memref_squeeze %dma_start3A_138 : memref<1x!tpu.dma_semaphore, #tpu.memory_space<semaphore_mem>> -> memref<!tpu.dma_semaphore, #tpu.memory_space<semaphore_mem>>
    %dma_start3A_140 = arith.constant 0 : i32
    %dma_start3A_141 = tpu.memref_slice %arg4[%add3A_129, %dma_start3A_140] : memref<204800x128xf32, #tpu.memory_space<hbm>> -> memref<128x128xf32, #tpu.memory_space<hbm>>
    %dma_start3A_142 = arith.constant 0 : i32
    %dma_start3A_143 = arith.constant 0 : i32
    %dma_start3A_144 = tpu.memref_slice %arg6[%dma_start3A_130, %dma_start3A_142, %dma_start3A_143] : memref<5x128x128xf32, #tpu.memory_space<vmem>> -> memref<1x128x128xf32, #tpu.memory_space<vmem>>
    %dma_start3A_145 = tpu.memref_squeeze %dma_start3A_144 : memref<1x128x128xf32, #tpu.memory_space<vmem>> -> memref<128x128xf32, #tpu.memory_space<vmem>>
    tpu.enqueue_dma source(%dma_start3A_145 : memref<128x128xf32, #tpu.memory_space<vmem>>) target(%dma_start3A_141 : memref<128x128xf32, #tpu.memory_space<hbm>>) target_semaphore(%dma_start3A_139 : memref<!tpu.dma_semaphore, #tpu.memory_space<semaphore_mem>>)
    %dma_start3A_146 = arith.constant 4 : i32
    %dma_start3A_147 = arith.constant 4 : i32
    %dma_start3A_148 = arith.constant 0 : i32
    %dma_start3A_149 = arith.constant 0 : i32
    %dma_start3A_150 = tpu.memref_slice %arg6[%dma_start3A_146, %dma_start3A_148, %dma_start3A_149] : memref<5x128x128xf32, #tpu.memory_space<vmem>> -> memref<1x128x128xf32, #tpu.memory_space<vmem>>
    %dma_start3A_151 = tpu.memref_squeeze %dma_start3A_150 : memref<1x128x128xf32, #tpu.memory_space<vmem>> -> memref<128x128xf32, #tpu.memory_space<vmem>>
    %dma_start3A_152 = arith.constant 512 : i32
    %dma_start3A_153 = tpu.memref_slice %arg5[%dma_start3A_152] : memref<6400xi32, #tpu.memory_space<vmem>> -> memref<128xi32, #tpu.memory_space<vmem>>
    %dma_start3A_154 = arith.constant 0 : i32
    %dma_start3A_155 = arith.constant 0 : i32
    %dma_start3A_156 = tpu.memref_slice %arg2[%dma_start3A_154, %dma_start3A_155] : memref<100000x128xf32, #tpu.memory_space<hbm>> -> memref<100000x128xf32, #tpu.memory_space<hbm>>
    %dma_start3A_157 = tpu.memref_slice %arg7[%dma_start3A_147] : memref<5x!tpu.dma_semaphore, #tpu.memory_space<semaphore_mem>> -> memref<1x!tpu.dma_semaphore, #tpu.memory_space<semaphore_mem>>
    %dma_start3A_158 = tpu.memref_squeeze %dma_start3A_157 : memref<1x!tpu.dma_semaphore, #tpu.memory_space<semaphore_mem>> -> memref<!tpu.dma_semaphore, #tpu.memory_space<semaphore_mem>>
    tpu.enqueue_indirect_dma source(%dma_start3A_156 : memref<100000x128xf32, #tpu.memory_space<hbm>>) target(%dma_start3A_151 : memref<128x128xf32, #tpu.memory_space<vmem>>) offsets(%dma_start3A_153 : memref<128xi32, #tpu.memory_space<vmem>>) semaphore(%dma_start3A_158 : memref<!tpu.dma_semaphore, #tpu.memory_space<semaphore_mem>>)
    %dma_wait3A_159 = arith.constant 3 : i32
    %dma_wait3A_160 = arith.constant 3 : i32
    %dma_wait3A_161 = arith.constant 0 : i32
    %dma_wait3A_162 = arith.constant 0 : i32
    %dma_wait3A_163 = tpu.memref_slice %arg6[%dma_wait3A_159, %dma_wait3A_161, %dma_wait3A_162] : memref<5x128x128xf32, #tpu.memory_space<vmem>> -> memref<1x128x128xf32, #tpu.memory_space<vmem>>
    %dma_wait3A_164 = tpu.memref_squeeze %dma_wait3A_163 : memref<1x128x128xf32, #tpu.memory_space<vmem>> -> memref<128x128xf32, #tpu.memory_space<vmem>>
    %dma_wait3A_165 = arith.constant 0 : i32
    %dma_wait3A_166 = tpu.memref_slice %arg5[%dma_wait3A_165] : memref<6400xi32, #tpu.memory_space<vmem>> -> memref<128xi32, #tpu.memory_space<vmem>>
    %dma_wait3A_167 = arith.constant 0 : i32
    %dma_wait3A_168 = arith.constant 0 : i32
    %dma_wait3A_169 = tpu.memref_slice %arg2[%dma_wait3A_167, %dma_wait3A_168] : memref<100000x128xf32, #tpu.memory_space<hbm>> -> memref<100000x128xf32, #tpu.memory_space<hbm>>
    %dma_wait3A_170 = tpu.memref_slice %arg7[%dma_wait3A_160] : memref<5x!tpu.dma_semaphore, #tpu.memory_space<semaphore_mem>> -> memref<1x!tpu.dma_semaphore, #tpu.memory_space<semaphore_mem>>
    %dma_wait3A_171 = tpu.memref_squeeze %dma_wait3A_170 : memref<1x!tpu.dma_semaphore, #tpu.memory_space<semaphore_mem>> -> memref<!tpu.dma_semaphore, #tpu.memory_space<semaphore_mem>>
    tpu.wait_indirect_dma semaphore(%dma_wait3A_171 : memref<!tpu.dma_semaphore, #tpu.memory_space<semaphore_mem>>) src(%dma_wait3A_169 : memref<100000x128xf32, #tpu.memory_space<hbm>>) dst(%dma_wait3A_164 : memref<128x128xf32, #tpu.memory_space<vmem>>)
    %add3A_172 = arith.constant 384 : i32
    %add3A_173 = arith.addi %mul3A_2, %add3A_172 : i32
    %dma_start3A_174 = arith.constant 3 : i32
    %dma_start3A_175 = arith.constant 3 : i32
    %dma_start3A_176 = arith.constant 0 : i32
    %dma_start3A_177 = arith.constant 0 : i32
    %dma_start3A_178 = tpu.memref_slice %arg6[%dma_start3A_174, %dma_start3A_176, %dma_start3A_177] : memref<5x128x128xf32, #tpu.memory_space<vmem>> -> memref<1x128x128xf32, #tpu.memory_space<vmem>>
    %dma_start3A_179 = tpu.memref_squeeze %dma_start3A_178 : memref<1x128x128xf32, #tpu.memory_space<vmem>> -> memref<128x128xf32, #tpu.memory_space<vmem>>
    %dma_start3A_180 = arith.constant 0 : i32
    %dma_start3A_181 = tpu.memref_slice %arg4[%add3A_173, %dma_start3A_180] : memref<204800x128xf32, #tpu.memory_space<hbm>> -> memref<128x128xf32, #tpu.memory_space<hbm>>
    %dma_start3A_182 = tpu.memref_slice %arg8[%dma_start3A_175] : memref<5x!tpu.dma_semaphore, #tpu.memory_space<semaphore_mem>> -> memref<1x!tpu.dma_semaphore, #tpu.memory_space<semaphore_mem>>
    %dma_start3A_183 = tpu.memref_squeeze %dma_start3A_182 : memref<1x!tpu.dma_semaphore, #tpu.memory_space<semaphore_mem>> -> memref<!tpu.dma_semaphore, #tpu.memory_space<semaphore_mem>>
    %dma_start3A_184 = arith.constant 0 : i32
    %dma_start3A_185 = tpu.memref_slice %arg4[%add3A_173, %dma_start3A_184] : memref<204800x128xf32, #tpu.memory_space<hbm>> -> memref<128x128xf32, #tpu.memory_space<hbm>>
    %dma_start3A_186 = arith.constant 0 : i32
    %dma_start3A_187 = arith.constant 0 : i32
    %dma_start3A_188 = tpu.memref_slice %arg6[%dma_start3A_174, %dma_start3A_186, %dma_start3A_187] : memref<5x128x128xf32, #tpu.memory_space<vmem>> -> memref<1x128x128xf32, #tpu.memory_space<vmem>>
    %dma_start3A_189 = tpu.memref_squeeze %dma_start3A_188 : memref<1x128x128xf32, #tpu.memory_space<vmem>> -> memref<128x128xf32, #tpu.memory_space<vmem>>
    tpu.enqueue_dma source(%dma_start3A_189 : memref<128x128xf32, #tpu.memory_space<vmem>>) target(%dma_start3A_185 : memref<128x128xf32, #tpu.memory_space<hbm>>) target_semaphore(%dma_start3A_183 : memref<!tpu.dma_semaphore, #tpu.memory_space<semaphore_mem>>)
    %dma_wait3A_190 = arith.constant 0 : i32
    %dma_wait3A_191 = arith.constant 0 : i32
    %dma_wait3A_192 = arith.constant 0 : i32
    %dma_wait3A_193 = arith.constant 0 : i32
    %dma_wait3A_194 = tpu.memref_slice %arg6[%dma_wait3A_190, %dma_wait3A_192, %dma_wait3A_193] : memref<5x128x128xf32, #tpu.memory_space<vmem>> -> memref<1x128x128xf32, #tpu.memory_space<vmem>>
    %dma_wait3A_195 = tpu.memref_squeeze %dma_wait3A_194 : memref<1x128x128xf32, #tpu.memory_space<vmem>> -> memref<128x128xf32, #tpu.memory_space<vmem>>
    %dma_wait3A_196 = arith.constant 0 : i32
    %dma_wait3A_197 = tpu.memref_slice %arg4[%mul3A_2, %dma_wait3A_196] : memref<204800x128xf32, #tpu.memory_space<hbm>> -> memref<128x128xf32, #tpu.memory_space<hbm>>
    %dma_wait3A_198 = tpu.memref_slice %arg8[%dma_wait3A_191] : memref<5x!tpu.dma_semaphore, #tpu.memory_space<semaphore_mem>> -> memref<1x!tpu.dma_semaphore, #tpu.memory_space<semaphore_mem>>
    %dma_wait3A_199 = tpu.memref_squeeze %dma_wait3A_198 : memref<1x!tpu.dma_semaphore, #tpu.memory_space<semaphore_mem>> -> memref<!tpu.dma_semaphore, #tpu.memory_space<semaphore_mem>>
    %dma_wait3A_200 = arith.constant 0 : i32
    %dma_wait3A_201 = tpu.memref_slice %arg4[%mul3A_2, %dma_wait3A_200] : memref<204800x128xf32, #tpu.memory_space<hbm>> -> memref<128x128xf32, #tpu.memory_space<hbm>>
    %dma_wait3A_202 = arith.constant 0 : i32
    %dma_wait3A_203 = arith.constant 0 : i32
    %dma_wait3A_204 = tpu.memref_slice %arg6[%dma_wait3A_190, %dma_wait3A_202, %dma_wait3A_203] : memref<5x128x128xf32, #tpu.memory_space<vmem>> -> memref<1x128x128xf32, #tpu.memory_space<vmem>>
    %dma_wait3A_205 = tpu.memref_squeeze %dma_wait3A_204 : memref<1x128x128xf32, #tpu.memory_space<vmem>> -> memref<128x128xf32, #tpu.memory_space<vmem>>
    tpu.wait_dma2 semaphore(%dma_wait3A_199 : memref<!tpu.dma_semaphore, #tpu.memory_space<semaphore_mem>>) src(%dma_wait3A_205 : memref<128x128xf32, #tpu.memory_space<vmem>>) dst(%dma_wait3A_201 : memref<128x128xf32, #tpu.memory_space<hbm>>)
    %dma_start3A_206 = arith.constant 0 : i32
    %dma_start3A_207 = arith.constant 0 : i32
    %dma_start3A_208 = arith.constant 0 : i32
    %dma_start3A_209 = arith.constant 0 : i32
    %dma_start3A_210 = tpu.memref_slice %arg6[%dma_start3A_206, %dma_start3A_208, %dma_start3A_209] : memref<5x128x128xf32, #tpu.memory_space<vmem>> -> memref<1x128x128xf32, #tpu.memory_space<vmem>>
    %dma_start3A_211 = tpu.memref_squeeze %dma_start3A_210 : memref<1x128x128xf32, #tpu.memory_space<vmem>> -> memref<128x128xf32, #tpu.memory_space<vmem>>
    %dma_start3A_212 = arith.constant 640 : i32
    %dma_start3A_213 = tpu.memref_slice %arg5[%dma_start3A_212] : memref<6400xi32, #tpu.memory_space<vmem>> -> memref<128xi32, #tpu.memory_space<vmem>>
    %dma_start3A_214 = arith.constant 0 : i32
    %dma_start3A_215 = arith.constant 0 : i32
    %dma_start3A_216 = tpu.memref_slice %arg2[%dma_start3A_214, %dma_start3A_215] : memref<100000x128xf32, #tpu.memory_space<hbm>> -> memref<100000x128xf32, #tpu.memory_space<hbm>>
    %dma_start3A_217 = tpu.memref_slice %arg7[%dma_start3A_207] : memref<5x!tpu.dma_semaphore, #tpu.memory_space<semaphore_mem>> -> memref<1x!tpu.dma_semaphore, #tpu.memory_space<semaphore_mem>>
    %dma_start3A_218 = tpu.memref_squeeze %dma_start3A_217 : memref<1x!tpu.dma_semaphore, #tpu.memory_space<semaphore_mem>> -> memref<!tpu.dma_semaphore, #tpu.memory_space<semaphore_mem>>
    tpu.enqueue_indirect_dma source(%dma_start3A_216 : memref<100000x128xf32, #tpu.memory_space<hbm>>) target(%dma_start3A_211 : memref<128x128xf32, #tpu.memory_space<vmem>>) offsets(%dma_start3A_213 : memref<128xi32, #tpu.memory_space<vmem>>) semaphore(%dma_start3A_218 : memref<!tpu.dma_semaphore, #tpu.memory_space<semaphore_mem>>)
    %dma_wait3A_219 = arith.constant 4 : i32
    %dma_wait3A_220 = arith.constant 4 : i32
    %dma_wait3A_221 = arith.constant 0 : i32
    %dma_wait3A_222 = arith.constant 0 : i32
    %dma_wait3A_223 = tpu.memref_slice %arg6[%dma_wait3A_219, %dma_wait3A_221, %dma_wait3A_222] : memref<5x128x128xf32, #tpu.memory_space<vmem>> -> memref<1x128x128xf32, #tpu.memory_space<vmem>>
    %dma_wait3A_224 = tpu.memref_squeeze %dma_wait3A_223 : memref<1x128x128xf32, #tpu.memory_space<vmem>> -> memref<128x128xf32, #tpu.memory_space<vmem>>
    %dma_wait3A_225 = arith.constant 0 : i32
    %dma_wait3A_226 = tpu.memref_slice %arg5[%dma_wait3A_225] : memref<6400xi32, #tpu.memory_space<vmem>> -> memref<128xi32, #tpu.memory_space<vmem>>
    %dma_wait3A_227 = arith.constant 0 : i32
    %dma_wait3A_228 = arith.constant 0 : i32
    %dma_wait3A_229 = tpu.memref_slice %arg2[%dma_wait3A_227, %dma_wait3A_228] : memref<100000x128xf32, #tpu.memory_space<hbm>> -> memref<100000x128xf32, #tpu.memory_space<hbm>>
    %dma_wait3A_230 = tpu.memref_slice %arg7[%dma_wait3A_220] : memref<5x!tpu.dma_semaphore, #tpu.memory_space<semaphore_mem>> -> memref<1x!tpu.dma_semaphore, #tpu.memory_space<semaphore_mem>>
    %dma_wait3A_231 = tpu.memref_squeeze %dma_wait3A_230 : memref<1x!tpu.dma_semaphore, #tpu.memory_space<semaphore_mem>> -> memref<!tpu.dma_semaphore, #tpu.memory_space<semaphore_mem>>
    tpu.wait_indirect_dma semaphore(%dma_wait3A_231 : memref<!tpu.dma_semaphore, #tpu.memory_space<semaphore_mem>>) src(%dma_wait3A_229 : memref<100000x128xf32, #tpu.memory_space<hbm>>) dst(%dma_wait3A_224 : memref<128x128xf32, #tpu.memory_space<vmem>>)
    %add3A_232 = arith.constant 512 : i32
    %add3A_233 = arith.addi %mul3A_2, %add3A_232 : i32
    %dma_start3A_234 = arith.constant 4 : i32
    %dma_start3A_235 = arith.constant 4 : i32
    %dma_start3A_236 = arith.constant 0 : i32
    %dma_start3A_237 = arith.constant 0 : i32
    %dma_start3A_238 = tpu.memref_slice %arg6[%dma_start3A_234, %dma_start3A_236, %dma_start3A_237] : memref<5x128x128xf32, #tpu.memory_space<vmem>> -> memref<1x128x128xf32, #tpu.memory_space<vmem>>
    %dma_start3A_239 = tpu.memref_squeeze %dma_start3A_238 : memref<1x128x128xf32, #tpu.memory_space<vmem>> -> memref<128x128xf32, #tpu.memory_space<vmem>>
    %dma_start3A_240 = arith.constant 0 : i32
    %dma_start3A_241 = tpu.memref_slice %arg4[%add3A_233, %dma_start3A_240] : memref<204800x128xf32, #tpu.memory_space<hbm>> -> memref<128x128xf32, #tpu.memory_space<hbm>>
    %dma_start3A_242 = tpu.memref_slice %arg8[%dma_start3A_235] : memref<5x!tpu.dma_semaphore, #tpu.memory_space<semaphore_mem>> -> memref<1x!tpu.dma_semaphore, #tpu.memory_space<semaphore_mem>>
    %dma_start3A_243 = tpu.memref_squeeze %dma_start3A_242 : memref<1x!tpu.dma_semaphore, #tpu.memory_space<semaphore_mem>> -> memref<!tpu.dma_semaphore, #tpu.memory_space<semaphore_mem>>
    %dma_start3A_244 = arith.constant 0 : i32
    %dma_start3A_245 = tpu.memref_slice %arg4[%add3A_233, %dma_start3A_244] : memref<204800x128xf32, #tpu.memory_space<hbm>> -> memref<128x128xf32, #tpu.memory_space<hbm>>
    %dma_start3A_246 = arith.constant 0 : i32
    %dma_start3A_247 = arith.constant 0 : i32
    %dma_start3A_248 = tpu.memref_slice %arg6[%dma_start3A_234, %dma_start3A_246, %dma_start3A_247] : memref<5x128x128xf32, #tpu.memory_space<vmem>> -> memref<1x128x128xf32, #tpu.memory_space<vmem>>
    %dma_start3A_249 = tpu.memref_squeeze %dma_start3A_248 : memref<1x128x128xf32, #tpu.memory_space<vmem>> -> memref<128x128xf32, #tpu.memory_space<vmem>>
    tpu.enqueue_dma source(%dma_start3A_249 : memref<128x128xf32, #tpu.memory_space<vmem>>) target(%dma_start3A_245 : memref<128x128xf32, #tpu.memory_space<hbm>>) target_semaphore(%dma_start3A_243 : memref<!tpu.dma_semaphore, #tpu.memory_space<semaphore_mem>>)
    %dma_wait3A_250 = arith.constant 1 : i32
    %dma_wait3A_251 = arith.constant 1 : i32
    %dma_wait3A_252 = arith.constant 0 : i32
    %dma_wait3A_253 = arith.constant 0 : i32
    %dma_wait3A_254 = tpu.memref_slice %arg6[%dma_wait3A_250, %dma_wait3A_252, %dma_wait3A_253] : memref<5x128x128xf32, #tpu.memory_space<vmem>> -> memref<1x128x128xf32, #tpu.memory_space<vmem>>
    %dma_wait3A_255 = tpu.memref_squeeze %dma_wait3A_254 : memref<1x128x128xf32, #tpu.memory_space<vmem>> -> memref<128x128xf32, #tpu.memory_space<vmem>>
    %dma_wait3A_256 = arith.constant 0 : i32
    %dma_wait3A_257 = tpu.memref_slice %arg4[%mul3A_2, %dma_wait3A_256] : memref<204800x128xf32, #tpu.memory_space<hbm>> -> memref<128x128xf32, #tpu.memory_space<hbm>>
    %dma_wait3A_258 = tpu.memref_slice %arg8[%dma_wait3A_251] : memref<5x!tpu.dma_semaphore, #tpu.memory_space<semaphore_mem>> -> memref<1x!tpu.dma_semaphore, #tpu.memory_space<semaphore_mem>>
    %dma_wait3A_259 = tpu.memref_squeeze %dma_wait3A_258 : memref<1x!tpu.dma_semaphore, #tpu.memory_space<semaphore_mem>> -> memref<!tpu.dma_semaphore, #tpu.memory_space<semaphore_mem>>
    %dma_wait3A_260 = arith.constant 0 : i32
    %dma_wait3A_261 = tpu.memref_slice %arg4[%mul3A_2, %dma_wait3A_260] : memref<204800x128xf32, #tpu.memory_space<hbm>> -> memref<128x128xf32, #tpu.memory_space<hbm>>
    %dma_wait3A_262 = arith.constant 0 : i32
    %dma_wait3A_263 = arith.constant 0 : i32
    %dma_wait3A_264 = tpu.memref_slice %arg6[%dma_wait3A_250, %dma_wait3A_262, %dma_wait3A_263] : memref<5x128x128xf32, #tpu.memory_space<vmem>> -> memref<1x128x128xf32, #tpu.memory_space<vmem>>
    %dma_wait3A_265 = tpu.memref_squeeze %dma_wait3A_264 : memref<1x128x128xf32, #tpu.memory_space<vmem>> -> memref<128x128xf32, #tpu.memory_space<vmem>>
    tpu.wait_dma2 semaphore(%dma_wait3A_259 : memref<!tpu.dma_semaphore, #tpu.memory_space<semaphore_mem>>) src(%dma_wait3A_265 : memref<128x128xf32, #tpu.memory_space<vmem>>) dst(%dma_wait3A_261 : memref<128x128xf32, #tpu.memory_space<hbm>>)
    %dma_start3A_266 = arith.constant 1 : i32
    %dma_start3A_267 = arith.constant 1 : i32
    %dma_start3A_268 = arith.constant 0 : i32
    %dma_start3A_269 = arith.constant 0 : i32
    %dma_start3A_270 = tpu.memref_slice %arg6[%dma_start3A_266, %dma_start3A_268, %dma_start3A_269] : memref<5x128x128xf32, #tpu.memory_space<vmem>> -> memref<1x128x128xf32, #tpu.memory_space<vmem>>
    %dma_start3A_271 = tpu.memref_squeeze %dma_start3A_270 : memref<1x128x128xf32, #tpu.memory_space<vmem>> -> memref<128x128xf32, #tpu.memory_space<vmem>>
    %dma_start3A_272 = arith.constant 768 : i32
    %dma_start3A_273 = tpu.memref_slice %arg5[%dma_start3A_272] : memref<6400xi32, #tpu.memory_space<vmem>> -> memref<128xi32, #tpu.memory_space<vmem>>
    %dma_start3A_274 = arith.constant 0 : i32
    %dma_start3A_275 = arith.constant 0 : i32
    %dma_start3A_276 = tpu.memref_slice %arg2[%dma_start3A_274, %dma_start3A_275] : memref<100000x128xf32, #tpu.memory_space<hbm>> -> memref<100000x128xf32, #tpu.memory_space<hbm>>
    %dma_start3A_277 = tpu.memref_slice %arg7[%dma_start3A_267] : memref<5x!tpu.dma_semaphore, #tpu.memory_space<semaphore_mem>> -> memref<1x!tpu.dma_semaphore, #tpu.memory_space<semaphore_mem>>
    %dma_start3A_278 = tpu.memref_squeeze %dma_start3A_277 : memref<1x!tpu.dma_semaphore, #tpu.memory_space<semaphore_mem>> -> memref<!tpu.dma_semaphore, #tpu.memory_space<semaphore_mem>>
    tpu.enqueue_indirect_dma source(%dma_start3A_276 : memref<100000x128xf32, #tpu.memory_space<hbm>>) target(%dma_start3A_271 : memref<128x128xf32, #tpu.memory_space<vmem>>) offsets(%dma_start3A_273 : memref<128xi32, #tpu.memory_space<vmem>>) semaphore(%dma_start3A_278 : memref<!tpu.dma_semaphore, #tpu.memory_space<semaphore_mem>>)
    %scan3A = arith.constant 0 : i32
    %scan3A_279 = arith.constant 1 : i32
    %scan3A_280 = arith.constant 8 : i32
    %scan3A_281 = arith.addi %scan3A_279, %scan3A_280 : i32
    %scan3A_282 = arith.constant 1 : i32
    scf.for %scan3A_606 = %scan3A_279 to %scan3A_281 step %scan3A_282  : i32 {
      %mul3A_607 = arith.constant 5 : i32
      %mul3A_608 = arith.muli %scan3A_606, %mul3A_607 : i32
      %add3A_609 = arith.constant 0 : i32
      %add3A_610 = arith.addi %mul3A_608, %add3A_609 : i32
      %dma_wait3A_611 = arith.constant 0 : i32
      %dma_wait3A_612 = arith.constant 0 : i32
      %dma_wait3A_613 = arith.constant 0 : i32
      %dma_wait3A_614 = arith.constant 0 : i32
      %dma_wait3A_615 = tpu.memref_slice %arg6[%dma_wait3A_611, %dma_wait3A_613, %dma_wait3A_614] : memref<5x128x128xf32, #tpu.memory_space<vmem>> -> memref<1x128x128xf32, #tpu.memory_space<vmem>>
      %dma_wait3A_616 = tpu.memref_squeeze %dma_wait3A_615 : memref<1x128x128xf32, #tpu.memory_space<vmem>> -> memref<128x128xf32, #tpu.memory_space<vmem>>
      %dma_wait3A_617 = arith.constant 0 : i32
      %dma_wait3A_618 = tpu.memref_slice %arg5[%dma_wait3A_617] : memref<6400xi32, #tpu.memory_space<vmem>> -> memref<128xi32, #tpu.memory_space<vmem>>
      %dma_wait3A_619 = arith.constant 0 : i32
      %dma_wait3A_620 = arith.constant 0 : i32
      %dma_wait3A_621 = tpu.memref_slice %arg2[%dma_wait3A_619, %dma_wait3A_620] : memref<100000x128xf32, #tpu.memory_space<hbm>> -> memref<100000x128xf32, #tpu.memory_space<hbm>>
      %dma_wait3A_622 = tpu.memref_slice %arg7[%dma_wait3A_612] : memref<5x!tpu.dma_semaphore, #tpu.memory_space<semaphore_mem>> -> memref<1x!tpu.dma_semaphore, #tpu.memory_space<semaphore_mem>>
      %dma_wait3A_623 = tpu.memref_squeeze %dma_wait3A_622 : memref<1x!tpu.dma_semaphore, #tpu.memory_space<semaphore_mem>> -> memref<!tpu.dma_semaphore, #tpu.memory_space<semaphore_mem>>
      tpu.wait_indirect_dma semaphore(%dma_wait3A_623 : memref<!tpu.dma_semaphore, #tpu.memory_space<semaphore_mem>>) src(%dma_wait3A_621 : memref<100000x128xf32, #tpu.memory_space<hbm>>) dst(%dma_wait3A_616 : memref<128x128xf32, #tpu.memory_space<vmem>>)
      %mul3A_624 = arith.constant 128 : i32
      %mul3A_625 = arith.muli %add3A_610, %mul3A_624 : i32
      %add3A_626 = arith.addi %mul3A_2, %mul3A_625 : i32
      %dma_start3A_627 = arith.constant 0 : i32
      %dma_start3A_628 = arith.constant 0 : i32
      %dma_start3A_629 = arith.constant 0 : i32
      %dma_start3A_630 = arith.constant 0 : i32
      %dma_start3A_631 = tpu.memref_slice %arg6[%dma_start3A_627, %dma_start3A_629, %dma_start3A_630] : memref<5x128x128xf32, #tpu.memory_space<vmem>> -> memref<1x128x128xf32, #tpu.memory_space<vmem>>
      %dma_start3A_632 = tpu.memref_squeeze %dma_start3A_631 : memref<1x128x128xf32, #tpu.memory_space<vmem>> -> memref<128x128xf32, #tpu.memory_space<vmem>>
      %dma_start3A_633 = arith.constant 0 : i32
      %dma_start3A_634 = tpu.memref_slice %arg4[%add3A_626, %dma_start3A_633] : memref<204800x128xf32, #tpu.memory_space<hbm>> -> memref<128x128xf32, #tpu.memory_space<hbm>>
      %dma_start3A_635 = tpu.memref_slice %arg8[%dma_start3A_628] : memref<5x!tpu.dma_semaphore, #tpu.memory_space<semaphore_mem>> -> memref<1x!tpu.dma_semaphore, #tpu.memory_space<semaphore_mem>>
      %dma_start3A_636 = tpu.memref_squeeze %dma_start3A_635 : memref<1x!tpu.dma_semaphore, #tpu.memory_space<semaphore_mem>> -> memref<!tpu.dma_semaphore, #tpu.memory_space<semaphore_mem>>
      %dma_start3A_637 = arith.constant 0 : i32
      %dma_start3A_638 = tpu.memref_slice %arg4[%add3A_626, %dma_start3A_637] : memref<204800x128xf32, #tpu.memory_space<hbm>> -> memref<128x128xf32, #tpu.memory_space<hbm>>
      %dma_start3A_639 = arith.constant 0 : i32
      %dma_start3A_640 = arith.constant 0 : i32
      %dma_start3A_641 = tpu.memref_slice %arg6[%dma_start3A_627, %dma_start3A_639, %dma_start3A_640] : memref<5x128x128xf32, #tpu.memory_space<vmem>> -> memref<1x128x128xf32, #tpu.memory_space<vmem>>
      %dma_start3A_642 = tpu.memref_squeeze %dma_start3A_641 : memref<1x128x128xf32, #tpu.memory_space<vmem>> -> memref<128x128xf32, #tpu.memory_space<vmem>>
      tpu.enqueue_dma source(%dma_start3A_642 : memref<128x128xf32, #tpu.memory_space<vmem>>) target(%dma_start3A_638 : memref<128x128xf32, #tpu.memory_space<hbm>>) target_semaphore(%dma_start3A_636 : memref<!tpu.dma_semaphore, #tpu.memory_space<semaphore_mem>>)
      %dma_wait3A_643 = arith.constant 2 : i32
      %dma_wait3A_644 = arith.constant 2 : i32
      %dma_wait3A_645 = arith.constant 0 : i32
      %dma_wait3A_646 = arith.constant 0 : i32
      %dma_wait3A_647 = tpu.memref_slice %arg6[%dma_wait3A_643, %dma_wait3A_645, %dma_wait3A_646] : memref<5x128x128xf32, #tpu.memory_space<vmem>> -> memref<1x128x128xf32, #tpu.memory_space<vmem>>
      %dma_wait3A_648 = tpu.memref_squeeze %dma_wait3A_647 : memref<1x128x128xf32, #tpu.memory_space<vmem>> -> memref<128x128xf32, #tpu.memory_space<vmem>>
      %dma_wait3A_649 = arith.constant 0 : i32
      %dma_wait3A_650 = tpu.memref_slice %arg4[%mul3A_2, %dma_wait3A_649] : memref<204800x128xf32, #tpu.memory_space<hbm>> -> memref<128x128xf32, #tpu.memory_space<hbm>>
      %dma_wait3A_651 = tpu.memref_slice %arg8[%dma_wait3A_644] : memref<5x!tpu.dma_semaphore, #tpu.memory_space<semaphore_mem>> -> memref<1x!tpu.dma_semaphore, #tpu.memory_space<semaphore_mem>>
      %dma_wait3A_652 = tpu.memref_squeeze %dma_wait3A_651 : memref<1x!tpu.dma_semaphore, #tpu.memory_space<semaphore_mem>> -> memref<!tpu.dma_semaphore, #tpu.memory_space<semaphore_mem>>
      %dma_wait3A_653 = arith.constant 0 : i32
      %dma_wait3A_654 = tpu.memref_slice %arg4[%mul3A_2, %dma_wait3A_653] : memref<204800x128xf32, #tpu.memory_space<hbm>> -> memref<128x128xf32, #tpu.memory_space<hbm>>
      %dma_wait3A_655 = arith.constant 0 : i32
      %dma_wait3A_656 = arith.constant 0 : i32
      %dma_wait3A_657 = tpu.memref_slice %arg6[%dma_wait3A_643, %dma_wait3A_655, %dma_wait3A_656] : memref<5x128x128xf32, #tpu.memory_space<vmem>> -> memref<1x128x128xf32, #tpu.memory_space<vmem>>
      %dma_wait3A_658 = tpu.memref_squeeze %dma_wait3A_657 : memref<1x128x128xf32, #tpu.memory_space<vmem>> -> memref<128x128xf32, #tpu.memory_space<vmem>>
      tpu.wait_dma2 semaphore(%dma_wait3A_652 : memref<!tpu.dma_semaphore, #tpu.memory_space<semaphore_mem>>) src(%dma_wait3A_658 : memref<128x128xf32, #tpu.memory_space<vmem>>) dst(%dma_wait3A_654 : memref<128x128xf32, #tpu.memory_space<hbm>>)
      %add3A_659 = arith.constant 2 : i32
      %add3A_660 = arith.addi %add3A_610, %add3A_659 : i32
      %mul3A_661 = arith.constant 128 : i32
      %mul3A_662 = arith.muli %add3A_660, %mul3A_661 : i32
      %dma_start3A_663 = arith.constant 2 : i32
      %dma_start3A_664 = arith.constant 2 : i32
      %dma_start3A_665 = arith.constant 0 : i32
      %dma_start3A_666 = arith.constant 0 : i32
      %dma_start3A_667 = tpu.memref_slice %arg6[%dma_start3A_663, %dma_start3A_665, %dma_start3A_666] : memref<5x128x128xf32, #tpu.memory_space<vmem>> -> memref<1x128x128xf32, #tpu.memory_space<vmem>>
      %dma_start3A_668 = tpu.memref_squeeze %dma_start3A_667 : memref<1x128x128xf32, #tpu.memory_space<vmem>> -> memref<128x128xf32, #tpu.memory_space<vmem>>
      %dma_start3A_669 = tpu.memref_slice %arg5[%mul3A_662] : memref<6400xi32, #tpu.memory_space<vmem>> -> memref<128xi32, #tpu.memory_space<vmem>>
      %dma_start3A_670 = arith.constant 0 : i32
      %dma_start3A_671 = arith.constant 0 : i32
      %dma_start3A_672 = tpu.memref_slice %arg2[%dma_start3A_670, %dma_start3A_671] : memref<100000x128xf32, #tpu.memory_space<hbm>> -> memref<100000x128xf32, #tpu.memory_space<hbm>>
      %dma_start3A_673 = tpu.memref_slice %arg7[%dma_start3A_664] : memref<5x!tpu.dma_semaphore, #tpu.memory_space<semaphore_mem>> -> memref<1x!tpu.dma_semaphore, #tpu.memory_space<semaphore_mem>>
      %dma_start3A_674 = tpu.memref_squeeze %dma_start3A_673 : memref<1x!tpu.dma_semaphore, #tpu.memory_space<semaphore_mem>> -> memref<!tpu.dma_semaphore, #tpu.memory_space<semaphore_mem>>
      tpu.enqueue_indirect_dma source(%dma_start3A_672 : memref<100000x128xf32, #tpu.memory_space<hbm>>) target(%dma_start3A_668 : memref<128x128xf32, #tpu.memory_space<vmem>>) offsets(%dma_start3A_669 : memref<128xi32, #tpu.memory_space<vmem>>) semaphore(%dma_start3A_674 : memref<!tpu.dma_semaphore, #tpu.memory_space<semaphore_mem>>)
      %add3A_675 = arith.constant 1 : i32
      %add3A_676 = arith.addi %mul3A_608, %add3A_675 : i32
      %dma_wait3A_677 = arith.constant 1 : i32
      %dma_wait3A_678 = arith.constant 1 : i32
      %dma_wait3A_679 = arith.constant 0 : i32
      %dma_wait3A_680 = arith.constant 0 : i32
      %dma_wait3A_681 = tpu.memref_slice %arg6[%dma_wait3A_677, %dma_wait3A_679, %dma_wait3A_680] : memref<5x128x128xf32, #tpu.memory_space<vmem>> -> memref<1x128x128xf32, #tpu.memory_space<vmem>>
      %dma_wait3A_682 = tpu.memref_squeeze %dma_wait3A_681 : memref<1x128x128xf32, #tpu.memory_space<vmem>> -> memref<128x128xf32, #tpu.memory_space<vmem>>
      %dma_wait3A_683 = arith.constant 0 : i32
      %dma_wait3A_684 = tpu.memref_slice %arg5[%dma_wait3A_683] : memref<6400xi32, #tpu.memory_space<vmem>> -> memref<128xi32, #tpu.memory_space<vmem>>
      %dma_wait3A_685 = arith.constant 0 : i32
      %dma_wait3A_686 = arith.constant 0 : i32
      %dma_wait3A_687 = tpu.memref_slice %arg2[%dma_wait3A_685, %dma_wait3A_686] : memref<100000x128xf32, #tpu.memory_space<hbm>> -> memref<100000x128xf32, #tpu.memory_space<hbm>>
      %dma_wait3A_688 = tpu.memref_slice %arg7[%dma_wait3A_678] : memref<5x!tpu.dma_semaphore, #tpu.memory_space<semaphore_mem>> -> memref<1x!tpu.dma_semaphore, #tpu.memory_space<semaphore_mem>>
      %dma_wait3A_689 = tpu.memref_squeeze %dma_wait3A_688 : memref<1x!tpu.dma_semaphore, #tpu.memory_space<semaphore_mem>> -> memref<!tpu.dma_semaphore, #tpu.memory_space<semaphore_mem>>
      tpu.wait_indirect_dma semaphore(%dma_wait3A_689 : memref<!tpu.dma_semaphore, #tpu.memory_space<semaphore_mem>>) src(%dma_wait3A_687 : memref<100000x128xf32, #tpu.memory_space<hbm>>) dst(%dma_wait3A_682 : memref<128x128xf32, #tpu.memory_space<vmem>>)
      %mul3A_690 = arith.constant 128 : i32
      %mul3A_691 = arith.muli %add3A_676, %mul3A_690 : i32
      %add3A_692 = arith.addi %mul3A_2, %mul3A_691 : i32
      %dma_start3A_693 = arith.constant 1 : i32
      %dma_start3A_694 = arith.constant 1 : i32
      %dma_start3A_695 = arith.constant 0 : i32
      %dma_start3A_696 = arith.constant 0 : i32
      %dma_start3A_697 = tpu.memref_slice %arg6[%dma_start3A_693, %dma_start3A_695, %dma_start3A_696] : memref<5x128x128xf32, #tpu.memory_space<vmem>> -> memref<1x128x128xf32, #tpu.memory_space<vmem>>
      %dma_start3A_698 = tpu.memref_squeeze %dma_start3A_697 : memref<1x128x128xf32, #tpu.memory_space<vmem>> -> memref<128x128xf32, #tpu.memory_space<vmem>>
      %dma_start3A_699 = arith.constant 0 : i32
      %dma_start3A_700 = tpu.memref_slice %arg4[%add3A_692, %dma_start3A_699] : memref<204800x128xf32, #tpu.memory_space<hbm>> -> memref<128x128xf32, #tpu.memory_space<hbm>>
      %dma_start3A_701 = tpu.memref_slice %arg8[%dma_start3A_694] : memref<5x!tpu.dma_semaphore, #tpu.memory_space<semaphore_mem>> -> memref<1x!tpu.dma_semaphore, #tpu.memory_space<semaphore_mem>>
      %dma_start3A_702 = tpu.memref_squeeze %dma_start3A_701 : memref<1x!tpu.dma_semaphore, #tpu.memory_space<semaphore_mem>> -> memref<!tpu.dma_semaphore, #tpu.memory_space<semaphore_mem>>
      %dma_start3A_703 = arith.constant 0 : i32
      %dma_start3A_704 = tpu.memref_slice %arg4[%add3A_692, %dma_start3A_703] : memref<204800x128xf32, #tpu.memory_space<hbm>> -> memref<128x128xf32, #tpu.memory_space<hbm>>
      %dma_start3A_705 = arith.constant 0 : i32
      %dma_start3A_706 = arith.constant 0 : i32
      %dma_start3A_707 = tpu.memref_slice %arg6[%dma_start3A_693, %dma_start3A_705, %dma_start3A_706] : memref<5x128x128xf32, #tpu.memory_space<vmem>> -> memref<1x128x128xf32, #tpu.memory_space<vmem>>
      %dma_start3A_708 = tpu.memref_squeeze %dma_start3A_707 : memref<1x128x128xf32, #tpu.memory_space<vmem>> -> memref<128x128xf32, #tpu.memory_space<vmem>>
      tpu.enqueue_dma source(%dma_start3A_708 : memref<128x128xf32, #tpu.memory_space<vmem>>) target(%dma_start3A_704 : memref<128x128xf32, #tpu.memory_space<hbm>>) target_semaphore(%dma_start3A_702 : memref<!tpu.dma_semaphore, #tpu.memory_space<semaphore_mem>>)
      %dma_wait3A_709 = arith.constant 3 : i32
      %dma_wait3A_710 = arith.constant 3 : i32
      %dma_wait3A_711 = arith.constant 0 : i32
      %dma_wait3A_712 = arith.constant 0 : i32
      %dma_wait3A_713 = tpu.memref_slice %arg6[%dma_wait3A_709, %dma_wait3A_711, %dma_wait3A_712] : memref<5x128x128xf32, #tpu.memory_space<vmem>> -> memref<1x128x128xf32, #tpu.memory_space<vmem>>
      %dma_wait3A_714 = tpu.memref_squeeze %dma_wait3A_713 : memref<1x128x128xf32, #tpu.memory_space<vmem>> -> memref<128x128xf32, #tpu.memory_space<vmem>>
      %dma_wait3A_715 = arith.constant 0 : i32
      %dma_wait3A_716 = tpu.memref_slice %arg4[%mul3A_2, %dma_wait3A_715] : memref<204800x128xf32, #tpu.memory_space<hbm>> -> memref<128x128xf32, #tpu.memory_space<hbm>>
      %dma_wait3A_717 = tpu.memref_slice %arg8[%dma_wait3A_710] : memref<5x!tpu.dma_semaphore, #tpu.memory_space<semaphore_mem>> -> memref<1x!tpu.dma_semaphore, #tpu.memory_space<semaphore_mem>>
      %dma_wait3A_718 = tpu.memref_squeeze %dma_wait3A_717 : memref<1x!tpu.dma_semaphore, #tpu.memory_space<semaphore_mem>> -> memref<!tpu.dma_semaphore, #tpu.memory_space<semaphore_mem>>
      %dma_wait3A_719 = arith.constant 0 : i32
      %dma_wait3A_720 = tpu.memref_slice %arg4[%mul3A_2, %dma_wait3A_719] : memref<204800x128xf32, #tpu.memory_space<hbm>> -> memref<128x128xf32, #tpu.memory_space<hbm>>
      %dma_wait3A_721 = arith.constant 0 : i32
      %dma_wait3A_722 = arith.constant 0 : i32
      %dma_wait3A_723 = tpu.memref_slice %arg6[%dma_wait3A_709, %dma_wait3A_721, %dma_wait3A_722] : memref<5x128x128xf32, #tpu.memory_space<vmem>> -> memref<1x128x128xf32, #tpu.memory_space<vmem>>
      %dma_wait3A_724 = tpu.memref_squeeze %dma_wait3A_723 : memref<1x128x128xf32, #tpu.memory_space<vmem>> -> memref<128x128xf32, #tpu.memory_space<vmem>>
      tpu.wait_dma2 semaphore(%dma_wait3A_718 : memref<!tpu.dma_semaphore, #tpu.memory_space<semaphore_mem>>) src(%dma_wait3A_724 : memref<128x128xf32, #tpu.memory_space<vmem>>) dst(%dma_wait3A_720 : memref<128x128xf32, #tpu.memory_space<hbm>>)
      %add3A_725 = arith.constant 2 : i32
      %add3A_726 = arith.addi %add3A_676, %add3A_725 : i32
      %mul3A_727 = arith.constant 128 : i32
      %mul3A_728 = arith.muli %add3A_726, %mul3A_727 : i32
      %dma_start3A_729 = arith.constant 3 : i32
      %dma_start3A_730 = arith.constant 3 : i32
      %dma_start3A_731 = arith.constant 0 : i32
      %dma_start3A_732 = arith.constant 0 : i32
      %dma_start3A_733 = tpu.memref_slice %arg6[%dma_start3A_729, %dma_start3A_731, %dma_start3A_732] : memref<5x128x128xf32, #tpu.memory_space<vmem>> -> memref<1x128x128xf32, #tpu.memory_space<vmem>>
      %dma_start3A_734 = tpu.memref_squeeze %dma_start3A_733 : memref<1x128x128xf32, #tpu.memory_space<vmem>> -> memref<128x128xf32, #tpu.memory_space<vmem>>
      %dma_start3A_735 = tpu.memref_slice %arg5[%mul3A_728] : memref<6400xi32, #tpu.memory_space<vmem>> -> memref<128xi32, #tpu.memory_space<vmem>>
      %dma_start3A_736 = arith.constant 0 : i32
      %dma_start3A_737 = arith.constant 0 : i32
      %dma_start3A_738 = tpu.memref_slice %arg2[%dma_start3A_736, %dma_start3A_737] : memref<100000x128xf32, #tpu.memory_space<hbm>> -> memref<100000x128xf32, #tpu.memory_space<hbm>>
      %dma_start3A_739 = tpu.memref_slice %arg7[%dma_start3A_730] : memref<5x!tpu.dma_semaphore, #tpu.memory_space<semaphore_mem>> -> memref<1x!tpu.dma_semaphore, #tpu.memory_space<semaphore_mem>>
      %dma_start3A_740 = tpu.memref_squeeze %dma_start3A_739 : memref<1x!tpu.dma_semaphore, #tpu.memory_space<semaphore_mem>> -> memref<!tpu.dma_semaphore, #tpu.memory_space<semaphore_mem>>
      tpu.enqueue_indirect_dma source(%dma_start3A_738 : memref<100000x128xf32, #tpu.memory_space<hbm>>) target(%dma_start3A_734 : memref<128x128xf32, #tpu.memory_space<vmem>>) offsets(%dma_start3A_735 : memref<128xi32, #tpu.memory_space<vmem>>) semaphore(%dma_start3A_740 : memref<!tpu.dma_semaphore, #tpu.memory_space<semaphore_mem>>)
      %add3A_741 = arith.constant 2 : i32
      %add3A_742 = arith.addi %mul3A_608, %add3A_741 : i32
      %dma_wait3A_743 = arith.constant 2 : i32
      %dma_wait3A_744 = arith.constant 2 : i32
      %dma_wait3A_745 = arith.constant 0 : i32
      %dma_wait3A_746 = arith.constant 0 : i32
      %dma_wait3A_747 = tpu.memref_slice %arg6[%dma_wait3A_743, %dma_wait3A_745, %dma_wait3A_746] : memref<5x128x128xf32, #tpu.memory_space<vmem>> -> memref<1x128x128xf32, #tpu.memory_space<vmem>>
      %dma_wait3A_748 = tpu.memref_squeeze %dma_wait3A_747 : memref<1x128x128xf32, #tpu.memory_space<vmem>> -> memref<128x128xf32, #tpu.memory_space<vmem>>
      %dma_wait3A_749 = arith.constant 0 : i32
      %dma_wait3A_750 = tpu.memref_slice %arg5[%dma_wait3A_749] : memref<6400xi32, #tpu.memory_space<vmem>> -> memref<128xi32, #tpu.memory_space<vmem>>
      %dma_wait3A_751 = arith.constant 0 : i32
      %dma_wait3A_752 = arith.constant 0 : i32
      %dma_wait3A_753 = tpu.memref_slice %arg2[%dma_wait3A_751, %dma_wait3A_752] : memref<100000x128xf32, #tpu.memory_space<hbm>> -> memref<100000x128xf32, #tpu.memory_space<hbm>>
      %dma_wait3A_754 = tpu.memref_slice %arg7[%dma_wait3A_744] : memref<5x!tpu.dma_semaphore, #tpu.memory_space<semaphore_mem>> -> memref<1x!tpu.dma_semaphore, #tpu.memory_space<semaphore_mem>>
      %dma_wait3A_755 = tpu.memref_squeeze %dma_wait3A_754 : memref<1x!tpu.dma_semaphore, #tpu.memory_space<semaphore_mem>> -> memref<!tpu.dma_semaphore, #tpu.memory_space<semaphore_mem>>
      tpu.wait_indirect_dma semaphore(%dma_wait3A_755 : memref<!tpu.dma_semaphore, #tpu.memory_space<semaphore_mem>>) src(%dma_wait3A_753 : memref<100000x128xf32, #tpu.memory_space<hbm>>) dst(%dma_wait3A_748 : memref<128x128xf32, #tpu.memory_space<vmem>>)
      %mul3A_756 = arith.constant 128 : i32
      %mul3A_757 = arith.muli %add3A_742, %mul3A_756 : i32
      %add3A_758 = arith.addi %mul3A_2, %mul3A_757 : i32
      %dma_start3A_759 = arith.constant 2 : i32
      %dma_start3A_760 = arith.constant 2 : i32
      %dma_start3A_761 = arith.constant 0 : i32
      %dma_start3A_762 = arith.constant 0 : i32
      %dma_start3A_763 = tpu.memref_slice %arg6[%dma_start3A_759, %dma_start3A_761, %dma_start3A_762] : memref<5x128x128xf32, #tpu.memory_space<vmem>> -> memref<1x128x128xf32, #tpu.memory_space<vmem>>
      %dma_start3A_764 = tpu.memref_squeeze %dma_start3A_763 : memref<1x128x128xf32, #tpu.memory_space<vmem>> -> memref<128x128xf32, #tpu.memory_space<vmem>>
      %dma_start3A_765 = arith.constant 0 : i32
      %dma_start3A_766 = tpu.memref_slice %arg4[%add3A_758, %dma_start3A_765] : memref<204800x128xf32, #tpu.memory_space<hbm>> -> memref<128x128xf32, #tpu.memory_space<hbm>>
      %dma_start3A_767 = tpu.memref_slice %arg8[%dma_start3A_760] : memref<5x!tpu.dma_semaphore, #tpu.memory_space<semaphore_mem>> -> memref<1x!tpu.dma_semaphore, #tpu.memory_space<semaphore_mem>>
      %dma_start3A_768 = tpu.memref_squeeze %dma_start3A_767 : memref<1x!tpu.dma_semaphore, #tpu.memory_space<semaphore_mem>> -> memref<!tpu.dma_semaphore, #tpu.memory_space<semaphore_mem>>
      %dma_start3A_769 = arith.constant 0 : i32
      %dma_start3A_770 = tpu.memref_slice %arg4[%add3A_758, %dma_start3A_769] : memref<204800x128xf32, #tpu.memory_space<hbm>> -> memref<128x128xf32, #tpu.memory_space<hbm>>
      %dma_start3A_771 = arith.constant 0 : i32
      %dma_start3A_772 = arith.constant 0 : i32
      %dma_start3A_773 = tpu.memref_slice %arg6[%dma_start3A_759, %dma_start3A_771, %dma_start3A_772] : memref<5x128x128xf32, #tpu.memory_space<vmem>> -> memref<1x128x128xf32, #tpu.memory_space<vmem>>
      %dma_start3A_774 = tpu.memref_squeeze %dma_start3A_773 : memref<1x128x128xf32, #tpu.memory_space<vmem>> -> memref<128x128xf32, #tpu.memory_space<vmem>>
      tpu.enqueue_dma source(%dma_start3A_774 : memref<128x128xf32, #tpu.memory_space<vmem>>) target(%dma_start3A_770 : memref<128x128xf32, #tpu.memory_space<hbm>>) target_semaphore(%dma_start3A_768 : memref<!tpu.dma_semaphore, #tpu.memory_space<semaphore_mem>>)
      %dma_wait3A_775 = arith.constant 4 : i32
      %dma_wait3A_776 = arith.constant 4 : i32
      %dma_wait3A_777 = arith.constant 0 : i32
      %dma_wait3A_778 = arith.constant 0 : i32
      %dma_wait3A_779 = tpu.memref_slice %arg6[%dma_wait3A_775, %dma_wait3A_777, %dma_wait3A_778] : memref<5x128x128xf32, #tpu.memory_space<vmem>> -> memref<1x128x128xf32, #tpu.memory_space<vmem>>
      %dma_wait3A_780 = tpu.memref_squeeze %dma_wait3A_779 : memref<1x128x128xf32, #tpu.memory_space<vmem>> -> memref<128x128xf32, #tpu.memory_space<vmem>>
      %dma_wait3A_781 = arith.constant 0 : i32
      %dma_wait3A_782 = tpu.memref_slice %arg4[%mul3A_2, %dma_wait3A_781] : memref<204800x128xf32, #tpu.memory_space<hbm>> -> memref<128x128xf32, #tpu.memory_space<hbm>>
      %dma_wait3A_783 = tpu.memref_slice %arg8[%dma_wait3A_776] : memref<5x!tpu.dma_semaphore, #tpu.memory_space<semaphore_mem>> -> memref<1x!tpu.dma_semaphore, #tpu.memory_space<semaphore_mem>>
      %dma_wait3A_784 = tpu.memref_squeeze %dma_wait3A_783 : memref<1x!tpu.dma_semaphore, #tpu.memory_space<semaphore_mem>> -> memref<!tpu.dma_semaphore, #tpu.memory_space<semaphore_mem>>
      %dma_wait3A_785 = arith.constant 0 : i32
      %dma_wait3A_786 = tpu.memref_slice %arg4[%mul3A_2, %dma_wait3A_785] : memref<204800x128xf32, #tpu.memory_space<hbm>> -> memref<128x128xf32, #tpu.memory_space<hbm>>
      %dma_wait3A_787 = arith.constant 0 : i32
      %dma_wait3A_788 = arith.constant 0 : i32
      %dma_wait3A_789 = tpu.memref_slice %arg6[%dma_wait3A_775, %dma_wait3A_787, %dma_wait3A_788] : memref<5x128x128xf32, #tpu.memory_space<vmem>> -> memref<1x128x128xf32, #tpu.memory_space<vmem>>
      %dma_wait3A_790 = tpu.memref_squeeze %dma_wait3A_789 : memref<1x128x128xf32, #tpu.memory_space<vmem>> -> memref<128x128xf32, #tpu.memory_space<vmem>>
      tpu.wait_dma2 semaphore(%dma_wait3A_784 : memref<!tpu.dma_semaphore, #tpu.memory_space<semaphore_mem>>) src(%dma_wait3A_790 : memref<128x128xf32, #tpu.memory_space<vmem>>) dst(%dma_wait3A_786 : memref<128x128xf32, #tpu.memory_space<hbm>>)
      %add3A_791 = arith.constant 2 : i32
      %add3A_792 = arith.addi %add3A_742, %add3A_791 : i32
      %mul3A_793 = arith.constant 128 : i32
      %mul3A_794 = arith.muli %add3A_792, %mul3A_793 : i32
      %dma_start3A_795 = arith.constant 4 : i32
      %dma_start3A_796 = arith.constant 4 : i32
      %dma_start3A_797 = arith.constant 0 : i32
      %dma_start3A_798 = arith.constant 0 : i32
      %dma_start3A_799 = tpu.memref_slice %arg6[%dma_start3A_795, %dma_start3A_797, %dma_start3A_798] : memref<5x128x128xf32, #tpu.memory_space<vmem>> -> memref<1x128x128xf32, #tpu.memory_space<vmem>>
      %dma_start3A_800 = tpu.memref_squeeze %dma_start3A_799 : memref<1x128x128xf32, #tpu.memory_space<vmem>> -> memref<128x128xf32, #tpu.memory_space<vmem>>
      %dma_start3A_801 = tpu.memref_slice %arg5[%mul3A_794] : memref<6400xi32, #tpu.memory_space<vmem>> -> memref<128xi32, #tpu.memory_space<vmem>>
      %dma_start3A_802 = arith.constant 0 : i32
      %dma_start3A_803 = arith.constant 0 : i32
      %dma_start3A_804 = tpu.memref_slice %arg2[%dma_start3A_802, %dma_start3A_803] : memref<100000x128xf32, #tpu.memory_space<hbm>> -> memref<100000x128xf32, #tpu.memory_space<hbm>>
      %dma_start3A_805 = tpu.memref_slice %arg7[%dma_start3A_796] : memref<5x!tpu.dma_semaphore, #tpu.memory_space<semaphore_mem>> -> memref<1x!tpu.dma_semaphore, #tpu.memory_space<semaphore_mem>>
      %dma_start3A_806 = tpu.memref_squeeze %dma_start3A_805 : memref<1x!tpu.dma_semaphore, #tpu.memory_space<semaphore_mem>> -> memref<!tpu.dma_semaphore, #tpu.memory_space<semaphore_mem>>
      tpu.enqueue_indirect_dma source(%dma_start3A_804 : memref<100000x128xf32, #tpu.memory_space<hbm>>) target(%dma_start3A_800 : memref<128x128xf32, #tpu.memory_space<vmem>>) offsets(%dma_start3A_801 : memref<128xi32, #tpu.memory_space<vmem>>) semaphore(%dma_start3A_806 : memref<!tpu.dma_semaphore, #tpu.memory_space<semaphore_mem>>)
      %add3A_807 = arith.constant 3 : i32
      %add3A_808 = arith.addi %mul3A_608, %add3A_807 : i32
      %dma_wait3A_809 = arith.constant 3 : i32
      %dma_wait3A_810 = arith.constant 3 : i32
      %dma_wait3A_811 = arith.constant 0 : i32
      %dma_wait3A_812 = arith.constant 0 : i32
      %dma_wait3A_813 = tpu.memref_slice %arg6[%dma_wait3A_809, %dma_wait3A_811, %dma_wait3A_812] : memref<5x128x128xf32, #tpu.memory_space<vmem>> -> memref<1x128x128xf32, #tpu.memory_space<vmem>>
      %dma_wait3A_814 = tpu.memref_squeeze %dma_wait3A_813 : memref<1x128x128xf32, #tpu.memory_space<vmem>> -> memref<128x128xf32, #tpu.memory_space<vmem>>
      %dma_wait3A_815 = arith.constant 0 : i32
      %dma_wait3A_816 = tpu.memref_slice %arg5[%dma_wait3A_815] : memref<6400xi32, #tpu.memory_space<vmem>> -> memref<128xi32, #tpu.memory_space<vmem>>
      %dma_wait3A_817 = arith.constant 0 : i32
      %dma_wait3A_818 = arith.constant 0 : i32
      %dma_wait3A_819 = tpu.memref_slice %arg2[%dma_wait3A_817, %dma_wait3A_818] : memref<100000x128xf32, #tpu.memory_space<hbm>> -> memref<100000x128xf32, #tpu.memory_space<hbm>>
      %dma_wait3A_820 = tpu.memref_slice %arg7[%dma_wait3A_810] : memref<5x!tpu.dma_semaphore, #tpu.memory_space<semaphore_mem>> -> memref<1x!tpu.dma_semaphore, #tpu.memory_space<semaphore_mem>>
      %dma_wait3A_821 = tpu.memref_squeeze %dma_wait3A_820 : memref<1x!tpu.dma_semaphore, #tpu.memory_space<semaphore_mem>> -> memref<!tpu.dma_semaphore, #tpu.memory_space<semaphore_mem>>
      tpu.wait_indirect_dma semaphore(%dma_wait3A_821 : memref<!tpu.dma_semaphore, #tpu.memory_space<semaphore_mem>>) src(%dma_wait3A_819 : memref<100000x128xf32, #tpu.memory_space<hbm>>) dst(%dma_wait3A_814 : memref<128x128xf32, #tpu.memory_space<vmem>>)
      %mul3A_822 = arith.constant 128 : i32
      %mul3A_823 = arith.muli %add3A_808, %mul3A_822 : i32
      %add3A_824 = arith.addi %mul3A_2, %mul3A_823 : i32
      %dma_start3A_825 = arith.constant 3 : i32
      %dma_start3A_826 = arith.constant 3 : i32
      %dma_start3A_827 = arith.constant 0 : i32
      %dma_start3A_828 = arith.constant 0 : i32
      %dma_start3A_829 = tpu.memref_slice %arg6[%dma_start3A_825, %dma_start3A_827, %dma_start3A_828] : memref<5x128x128xf32, #tpu.memory_space<vmem>> -> memref<1x128x128xf32, #tpu.memory_space<vmem>>
      %dma_start3A_830 = tpu.memref_squeeze %dma_start3A_829 : memref<1x128x128xf32, #tpu.memory_space<vmem>> -> memref<128x128xf32, #tpu.memory_space<vmem>>
      %dma_start3A_831 = arith.constant 0 : i32
      %dma_start3A_832 = tpu.memref_slice %arg4[%add3A_824, %dma_start3A_831] : memref<204800x128xf32, #tpu.memory_space<hbm>> -> memref<128x128xf32, #tpu.memory_space<hbm>>
      %dma_start3A_833 = tpu.memref_slice %arg8[%dma_start3A_826] : memref<5x!tpu.dma_semaphore, #tpu.memory_space<semaphore_mem>> -> memref<1x!tpu.dma_semaphore, #tpu.memory_space<semaphore_mem>>
      %dma_start3A_834 = tpu.memref_squeeze %dma_start3A_833 : memref<1x!tpu.dma_semaphore, #tpu.memory_space<semaphore_mem>> -> memref<!tpu.dma_semaphore, #tpu.memory_space<semaphore_mem>>
      %dma_start3A_835 = arith.constant 0 : i32
      %dma_start3A_836 = tpu.memref_slice %arg4[%add3A_824, %dma_start3A_835] : memref<204800x128xf32, #tpu.memory_space<hbm>> -> memref<128x128xf32, #tpu.memory_space<hbm>>
      %dma_start3A_837 = arith.constant 0 : i32
      %dma_start3A_838 = arith.constant 0 : i32
      %dma_start3A_839 = tpu.memref_slice %arg6[%dma_start3A_825, %dma_start3A_837, %dma_start3A_838] : memref<5x128x128xf32, #tpu.memory_space<vmem>> -> memref<1x128x128xf32, #tpu.memory_space<vmem>>
      %dma_start3A_840 = tpu.memref_squeeze %dma_start3A_839 : memref<1x128x128xf32, #tpu.memory_space<vmem>> -> memref<128x128xf32, #tpu.memory_space<vmem>>
      tpu.enqueue_dma source(%dma_start3A_840 : memref<128x128xf32, #tpu.memory_space<vmem>>) target(%dma_start3A_836 : memref<128x128xf32, #tpu.memory_space<hbm>>) target_semaphore(%dma_start3A_834 : memref<!tpu.dma_semaphore, #tpu.memory_space<semaphore_mem>>)
      %dma_wait3A_841 = arith.constant 0 : i32
      %dma_wait3A_842 = arith.constant 0 : i32
      %dma_wait3A_843 = arith.constant 0 : i32
      %dma_wait3A_844 = arith.constant 0 : i32
      %dma_wait3A_845 = tpu.memref_slice %arg6[%dma_wait3A_841, %dma_wait3A_843, %dma_wait3A_844] : memref<5x128x128xf32, #tpu.memory_space<vmem>> -> memref<1x128x128xf32, #tpu.memory_space<vmem>>
      %dma_wait3A_846 = tpu.memref_squeeze %dma_wait3A_845 : memref<1x128x128xf32, #tpu.memory_space<vmem>> -> memref<128x128xf32, #tpu.memory_space<vmem>>
      %dma_wait3A_847 = arith.constant 0 : i32
      %dma_wait3A_848 = tpu.memref_slice %arg4[%mul3A_2, %dma_wait3A_847] : memref<204800x128xf32, #tpu.memory_space<hbm>> -> memref<128x128xf32, #tpu.memory_space<hbm>>
      %dma_wait3A_849 = tpu.memref_slice %arg8[%dma_wait3A_842] : memref<5x!tpu.dma_semaphore, #tpu.memory_space<semaphore_mem>> -> memref<1x!tpu.dma_semaphore, #tpu.memory_space<semaphore_mem>>
      %dma_wait3A_850 = tpu.memref_squeeze %dma_wait3A_849 : memref<1x!tpu.dma_semaphore, #tpu.memory_space<semaphore_mem>> -> memref<!tpu.dma_semaphore, #tpu.memory_space<semaphore_mem>>
      %dma_wait3A_851 = arith.constant 0 : i32
      %dma_wait3A_852 = tpu.memref_slice %arg4[%mul3A_2, %dma_wait3A_851] : memref<204800x128xf32, #tpu.memory_space<hbm>> -> memref<128x128xf32, #tpu.memory_space<hbm>>
      %dma_wait3A_853 = arith.constant 0 : i32
      %dma_wait3A_854 = arith.constant 0 : i32
      %dma_wait3A_855 = tpu.memref_slice %arg6[%dma_wait3A_841, %dma_wait3A_853, %dma_wait3A_854] : memref<5x128x128xf32, #tpu.memory_space<vmem>> -> memref<1x128x128xf32, #tpu.memory_space<vmem>>
      %dma_wait3A_856 = tpu.memref_squeeze %dma_wait3A_855 : memref<1x128x128xf32, #tpu.memory_space<vmem>> -> memref<128x128xf32, #tpu.memory_space<vmem>>
      tpu.wait_dma2 semaphore(%dma_wait3A_850 : memref<!tpu.dma_semaphore, #tpu.memory_space<semaphore_mem>>) src(%dma_wait3A_856 : memref<128x128xf32, #tpu.memory_space<vmem>>) dst(%dma_wait3A_852 : memref<128x128xf32, #tpu.memory_space<hbm>>)
      %add3A_857 = arith.constant 2 : i32
      %add3A_858 = arith.addi %add3A_808, %add3A_857 : i32
      %mul3A_859 = arith.constant 128 : i32
      %mul3A_860 = arith.muli %add3A_858, %mul3A_859 : i32
      %dma_start3A_861 = arith.constant 0 : i32
      %dma_start3A_862 = arith.constant 0 : i32
      %dma_start3A_863 = arith.constant 0 : i32
      %dma_start3A_864 = arith.constant 0 : i32
      %dma_start3A_865 = tpu.memref_slice %arg6[%dma_start3A_861, %dma_start3A_863, %dma_start3A_864] : memref<5x128x128xf32, #tpu.memory_space<vmem>> -> memref<1x128x128xf32, #tpu.memory_space<vmem>>
      %dma_start3A_866 = tpu.memref_squeeze %dma_start3A_865 : memref<1x128x128xf32, #tpu.memory_space<vmem>> -> memref<128x128xf32, #tpu.memory_space<vmem>>
      %dma_start3A_867 = tpu.memref_slice %arg5[%mul3A_860] : memref<6400xi32, #tpu.memory_space<vmem>> -> memref<128xi32, #tpu.memory_space<vmem>>
      %dma_start3A_868 = arith.constant 0 : i32
      %dma_start3A_869 = arith.constant 0 : i32
      %dma_start3A_870 = tpu.memref_slice %arg2[%dma_start3A_868, %dma_start3A_869] : memref<100000x128xf32, #tpu.memory_space<hbm>> -> memref<100000x128xf32, #tpu.memory_space<hbm>>
      %dma_start3A_871 = tpu.memref_slice %arg7[%dma_start3A_862] : memref<5x!tpu.dma_semaphore, #tpu.memory_space<semaphore_mem>> -> memref<1x!tpu.dma_semaphore, #tpu.memory_space<semaphore_mem>>
      %dma_start3A_872 = tpu.memref_squeeze %dma_start3A_871 : memref<1x!tpu.dma_semaphore, #tpu.memory_space<semaphore_mem>> -> memref<!tpu.dma_semaphore, #tpu.memory_space<semaphore_mem>>
      tpu.enqueue_indirect_dma source(%dma_start3A_870 : memref<100000x128xf32, #tpu.memory_space<hbm>>) target(%dma_start3A_866 : memref<128x128xf32, #tpu.memory_space<vmem>>) offsets(%dma_start3A_867 : memref<128xi32, #tpu.memory_space<vmem>>) semaphore(%dma_start3A_872 : memref<!tpu.dma_semaphore, #tpu.memory_space<semaphore_mem>>)
      %add3A_873 = arith.constant 4 : i32
      %add3A_874 = arith.addi %mul3A_608, %add3A_873 : i32
      %dma_wait3A_875 = arith.constant 4 : i32
      %dma_wait3A_876 = arith.constant 4 : i32
      %dma_wait3A_877 = arith.constant 0 : i32
      %dma_wait3A_878 = arith.constant 0 : i32
      %dma_wait3A_879 = tpu.memref_slice %arg6[%dma_wait3A_875, %dma_wait3A_877, %dma_wait3A_878] : memref<5x128x128xf32, #tpu.memory_space<vmem>> -> memref<1x128x128xf32, #tpu.memory_space<vmem>>
      %dma_wait3A_880 = tpu.memref_squeeze %dma_wait3A_879 : memref<1x128x128xf32, #tpu.memory_space<vmem>> -> memref<128x128xf32, #tpu.memory_space<vmem>>
      %dma_wait3A_881 = arith.constant 0 : i32
      %dma_wait3A_882 = tpu.memref_slice %arg5[%dma_wait3A_881] : memref<6400xi32, #tpu.memory_space<vmem>> -> memref<128xi32, #tpu.memory_space<vmem>>
      %dma_wait3A_883 = arith.constant 0 : i32
      %dma_wait3A_884 = arith.constant 0 : i32
      %dma_wait3A_885 = tpu.memref_slice %arg2[%dma_wait3A_883, %dma_wait3A_884] : memref<100000x128xf32, #tpu.memory_space<hbm>> -> memref<100000x128xf32, #tpu.memory_space<hbm>>
      %dma_wait3A_886 = tpu.memref_slice %arg7[%dma_wait3A_876] : memref<5x!tpu.dma_semaphore, #tpu.memory_space<semaphore_mem>> -> memref<1x!tpu.dma_semaphore, #tpu.memory_space<semaphore_mem>>
      %dma_wait3A_887 = tpu.memref_squeeze %dma_wait3A_886 : memref<1x!tpu.dma_semaphore, #tpu.memory_space<semaphore_mem>> -> memref<!tpu.dma_semaphore, #tpu.memory_space<semaphore_mem>>
      tpu.wait_indirect_dma semaphore(%dma_wait3A_887 : memref<!tpu.dma_semaphore, #tpu.memory_space<semaphore_mem>>) src(%dma_wait3A_885 : memref<100000x128xf32, #tpu.memory_space<hbm>>) dst(%dma_wait3A_880 : memref<128x128xf32, #tpu.memory_space<vmem>>)
      %mul3A_888 = arith.constant 128 : i32
      %mul3A_889 = arith.muli %add3A_874, %mul3A_888 : i32
      %add3A_890 = arith.addi %mul3A_2, %mul3A_889 : i32
      %dma_start3A_891 = arith.constant 4 : i32
      %dma_start3A_892 = arith.constant 4 : i32
      %dma_start3A_893 = arith.constant 0 : i32
      %dma_start3A_894 = arith.constant 0 : i32
      %dma_start3A_895 = tpu.memref_slice %arg6[%dma_start3A_891, %dma_start3A_893, %dma_start3A_894] : memref<5x128x128xf32, #tpu.memory_space<vmem>> -> memref<1x128x128xf32, #tpu.memory_space<vmem>>
      %dma_start3A_896 = tpu.memref_squeeze %dma_start3A_895 : memref<1x128x128xf32, #tpu.memory_space<vmem>> -> memref<128x128xf32, #tpu.memory_space<vmem>>
      %dma_start3A_897 = arith.constant 0 : i32
      %dma_start3A_898 = tpu.memref_slice %arg4[%add3A_890, %dma_start3A_897] : memref<204800x128xf32, #tpu.memory_space<hbm>> -> memref<128x128xf32, #tpu.memory_space<hbm>>
      %dma_start3A_899 = tpu.memref_slice %arg8[%dma_start3A_892] : memref<5x!tpu.dma_semaphore, #tpu.memory_space<semaphore_mem>> -> memref<1x!tpu.dma_semaphore, #tpu.memory_space<semaphore_mem>>
      %dma_start3A_900 = tpu.memref_squeeze %dma_start3A_899 : memref<1x!tpu.dma_semaphore, #tpu.memory_space<semaphore_mem>> -> memref<!tpu.dma_semaphore, #tpu.memory_space<semaphore_mem>>
      %dma_start3A_901 = arith.constant 0 : i32
      %dma_start3A_902 = tpu.memref_slice %arg4[%add3A_890, %dma_start3A_901] : memref<204800x128xf32, #tpu.memory_space<hbm>> -> memref<128x128xf32, #tpu.memory_space<hbm>>
      %dma_start3A_903 = arith.constant 0 : i32
      %dma_start3A_904 = arith.constant 0 : i32
      %dma_start3A_905 = tpu.memref_slice %arg6[%dma_start3A_891, %dma_start3A_903, %dma_start3A_904] : memref<5x128x128xf32, #tpu.memory_space<vmem>> -> memref<1x128x128xf32, #tpu.memory_space<vmem>>
      %dma_start3A_906 = tpu.memref_squeeze %dma_start3A_905 : memref<1x128x128xf32, #tpu.memory_space<vmem>> -> memref<128x128xf32, #tpu.memory_space<vmem>>
      tpu.enqueue_dma source(%dma_start3A_906 : memref<128x128xf32, #tpu.memory_space<vmem>>) target(%dma_start3A_902 : memref<128x128xf32, #tpu.memory_space<hbm>>) target_semaphore(%dma_start3A_900 : memref<!tpu.dma_semaphore, #tpu.memory_space<semaphore_mem>>)
      %dma_wait3A_907 = arith.constant 1 : i32
      %dma_wait3A_908 = arith.constant 1 : i32
      %dma_wait3A_909 = arith.constant 0 : i32
      %dma_wait3A_910 = arith.constant 0 : i32
      %dma_wait3A_911 = tpu.memref_slice %arg6[%dma_wait3A_907, %dma_wait3A_909, %dma_wait3A_910] : memref<5x128x128xf32, #tpu.memory_space<vmem>> -> memref<1x128x128xf32, #tpu.memory_space<vmem>>
      %dma_wait3A_912 = tpu.memref_squeeze %dma_wait3A_911 : memref<1x128x128xf32, #tpu.memory_space<vmem>> -> memref<128x128xf32, #tpu.memory_space<vmem>>
      %dma_wait3A_913 = arith.constant 0 : i32
      %dma_wait3A_914 = tpu.memref_slice %arg4[%mul3A_2, %dma_wait3A_913] : memref<204800x128xf32, #tpu.memory_space<hbm>> -> memref<128x128xf32, #tpu.memory_space<hbm>>
      %dma_wait3A_915 = tpu.memref_slice %arg8[%dma_wait3A_908] : memref<5x!tpu.dma_semaphore, #tpu.memory_space<semaphore_mem>> -> memref<1x!tpu.dma_semaphore, #tpu.memory_space<semaphore_mem>>
      %dma_wait3A_916 = tpu.memref_squeeze %dma_wait3A_915 : memref<1x!tpu.dma_semaphore, #tpu.memory_space<semaphore_mem>> -> memref<!tpu.dma_semaphore, #tpu.memory_space<semaphore_mem>>
      %dma_wait3A_917 = arith.constant 0 : i32
      %dma_wait3A_918 = tpu.memref_slice %arg4[%mul3A_2, %dma_wait3A_917] : memref<204800x128xf32, #tpu.memory_space<hbm>> -> memref<128x128xf32, #tpu.memory_space<hbm>>
      %dma_wait3A_919 = arith.constant 0 : i32
      %dma_wait3A_920 = arith.constant 0 : i32
      %dma_wait3A_921 = tpu.memref_slice %arg6[%dma_wait3A_907, %dma_wait3A_919, %dma_wait3A_920] : memref<5x128x128xf32, #tpu.memory_space<vmem>> -> memref<1x128x128xf32, #tpu.memory_space<vmem>>
      %dma_wait3A_922 = tpu.memref_squeeze %dma_wait3A_921 : memref<1x128x128xf32, #tpu.memory_space<vmem>> -> memref<128x128xf32, #tpu.memory_space<vmem>>
      tpu.wait_dma2 semaphore(%dma_wait3A_916 : memref<!tpu.dma_semaphore, #tpu.memory_space<semaphore_mem>>) src(%dma_wait3A_922 : memref<128x128xf32, #tpu.memory_space<vmem>>) dst(%dma_wait3A_918 : memref<128x128xf32, #tpu.memory_space<hbm>>)
      %add3A_923 = arith.constant 2 : i32
      %add3A_924 = arith.addi %add3A_874, %add3A_923 : i32
      %mul3A_925 = arith.constant 128 : i32
      %mul3A_926 = arith.muli %add3A_924, %mul3A_925 : i32
      %dma_start3A_927 = arith.constant 1 : i32
      %dma_start3A_928 = arith.constant 1 : i32
      %dma_start3A_929 = arith.constant 0 : i32
      %dma_start3A_930 = arith.constant 0 : i32
      %dma_start3A_931 = tpu.memref_slice %arg6[%dma_start3A_927, %dma_start3A_929, %dma_start3A_930] : memref<5x128x128xf32, #tpu.memory_space<vmem>> -> memref<1x128x128xf32, #tpu.memory_space<vmem>>
      %dma_start3A_932 = tpu.memref_squeeze %dma_start3A_931 : memref<1x128x128xf32, #tpu.memory_space<vmem>> -> memref<128x128xf32, #tpu.memory_space<vmem>>
      %dma_start3A_933 = tpu.memref_slice %arg5[%mul3A_926] : memref<6400xi32, #tpu.memory_space<vmem>> -> memref<128xi32, #tpu.memory_space<vmem>>
      %dma_start3A_934 = arith.constant 0 : i32
      %dma_start3A_935 = arith.constant 0 : i32
      %dma_start3A_936 = tpu.memref_slice %arg2[%dma_start3A_934, %dma_start3A_935] : memref<100000x128xf32, #tpu.memory_space<hbm>> -> memref<100000x128xf32, #tpu.memory_space<hbm>>
      %dma_start3A_937 = tpu.memref_slice %arg7[%dma_start3A_928] : memref<5x!tpu.dma_semaphore, #tpu.memory_space<semaphore_mem>> -> memref<1x!tpu.dma_semaphore, #tpu.memory_space<semaphore_mem>>
      %dma_start3A_938 = tpu.memref_squeeze %dma_start3A_937 : memref<1x!tpu.dma_semaphore, #tpu.memory_space<semaphore_mem>> -> memref<!tpu.dma_semaphore, #tpu.memory_space<semaphore_mem>>
      tpu.enqueue_indirect_dma source(%dma_start3A_936 : memref<100000x128xf32, #tpu.memory_space<hbm>>) target(%dma_start3A_932 : memref<128x128xf32, #tpu.memory_space<vmem>>) offsets(%dma_start3A_933 : memref<128xi32, #tpu.memory_space<vmem>>) semaphore(%dma_start3A_938 : memref<!tpu.dma_semaphore, #tpu.memory_space<semaphore_mem>>)
    }
    %scan3A_283 = arith.constant 8 : i32
    %dma_wait3A_284 = arith.constant 0 : i32
    %dma_wait3A_285 = arith.constant 0 : i32
    %dma_wait3A_286 = arith.constant 0 : i32
    %dma_wait3A_287 = arith.constant 0 : i32
    %dma_wait3A_288 = tpu.memref_slice %arg6[%dma_wait3A_284, %dma_wait3A_286, %dma_wait3A_287] : memref<5x128x128xf32, #tpu.memory_space<vmem>> -> memref<1x128x128xf32, #tpu.memory_space<vmem>>
    %dma_wait3A_289 = tpu.memref_squeeze %dma_wait3A_288 : memref<1x128x128xf32, #tpu.memory_space<vmem>> -> memref<128x128xf32, #tpu.memory_space<vmem>>
    %dma_wait3A_290 = arith.constant 0 : i32
    %dma_wait3A_291 = tpu.memref_slice %arg5[%dma_wait3A_290] : memref<6400xi32, #tpu.memory_space<vmem>> -> memref<128xi32, #tpu.memory_space<vmem>>
    %dma_wait3A_292 = arith.constant 0 : i32
    %dma_wait3A_293 = arith.constant 0 : i32
    %dma_wait3A_294 = tpu.memref_slice %arg2[%dma_wait3A_292, %dma_wait3A_293] : memref<100000x128xf32, #tpu.memory_space<hbm>> -> memref<100000x128xf32, #tpu.memory_space<hbm>>
    %dma_wait3A_295 = tpu.memref_slice %arg7[%dma_wait3A_285] : memref<5x!tpu.dma_semaphore, #tpu.memory_space<semaphore_mem>> -> memref<1x!tpu.dma_semaphore, #tpu.memory_space<semaphore_mem>>
    %dma_wait3A_296 = tpu.memref_squeeze %dma_wait3A_295 : memref<1x!tpu.dma_semaphore, #tpu.memory_space<semaphore_mem>> -> memref<!tpu.dma_semaphore, #tpu.memory_space<semaphore_mem>>
    tpu.wait_indirect_dma semaphore(%dma_wait3A_296 : memref<!tpu.dma_semaphore, #tpu.memory_space<semaphore_mem>>) src(%dma_wait3A_294 : memref<100000x128xf32, #tpu.memory_space<hbm>>) dst(%dma_wait3A_289 : memref<128x128xf32, #tpu.memory_space<vmem>>)
    %add3A_297 = arith.constant 5760 : i32
    %add3A_298 = arith.addi %mul3A_2, %add3A_297 : i32
    %dma_start3A_299 = arith.constant 0 : i32
    %dma_start3A_300 = arith.constant 0 : i32
    %dma_start3A_301 = arith.constant 0 : i32
    %dma_start3A_302 = arith.constant 0 : i32
    %dma_start3A_303 = tpu.memref_slice %arg6[%dma_start3A_299, %dma_start3A_301, %dma_start3A_302] : memref<5x128x128xf32, #tpu.memory_space<vmem>> -> memref<1x128x128xf32, #tpu.memory_space<vmem>>
    %dma_start3A_304 = tpu.memref_squeeze %dma_start3A_303 : memref<1x128x128xf32, #tpu.memory_space<vmem>> -> memref<128x128xf32, #tpu.memory_space<vmem>>
    %dma_start3A_305 = arith.constant 0 : i32
    %dma_start3A_306 = tpu.memref_slice %arg4[%add3A_298, %dma_start3A_305] : memref<204800x128xf32, #tpu.memory_space<hbm>> -> memref<128x128xf32, #tpu.memory_space<hbm>>
    %dma_start3A_307 = tpu.memref_slice %arg8[%dma_start3A_300] : memref<5x!tpu.dma_semaphore, #tpu.memory_space<semaphore_mem>> -> memref<1x!tpu.dma_semaphore, #tpu.memory_space<semaphore_mem>>
    %dma_start3A_308 = tpu.memref_squeeze %dma_start3A_307 : memref<1x!tpu.dma_semaphore, #tpu.memory_space<semaphore_mem>> -> memref<!tpu.dma_semaphore, #tpu.memory_space<semaphore_mem>>
    %dma_start3A_309 = arith.constant 0 : i32
    %dma_start3A_310 = tpu.memref_slice %arg4[%add3A_298, %dma_start3A_309] : memref<204800x128xf32, #tpu.memory_space<hbm>> -> memref<128x128xf32, #tpu.memory_space<hbm>>
    %dma_start3A_311 = arith.constant 0 : i32
    %dma_start3A_312 = arith.constant 0 : i32
    %dma_start3A_313 = tpu.memref_slice %arg6[%dma_start3A_299, %dma_start3A_311, %dma_start3A_312] : memref<5x128x128xf32, #tpu.memory_space<vmem>> -> memref<1x128x128xf32, #tpu.memory_space<vmem>>
    %dma_start3A_314 = tpu.memref_squeeze %dma_start3A_313 : memref<1x128x128xf32, #tpu.memory_space<vmem>> -> memref<128x128xf32, #tpu.memory_space<vmem>>
    tpu.enqueue_dma source(%dma_start3A_314 : memref<128x128xf32, #tpu.memory_space<vmem>>) target(%dma_start3A_310 : memref<128x128xf32, #tpu.memory_space<hbm>>) target_semaphore(%dma_start3A_308 : memref<!tpu.dma_semaphore, #tpu.memory_space<semaphore_mem>>)
    %dma_wait3A_315 = arith.constant 2 : i32
    %dma_wait3A_316 = arith.constant 2 : i32
    %dma_wait3A_317 = arith.constant 0 : i32
    %dma_wait3A_318 = arith.constant 0 : i32
    %dma_wait3A_319 = tpu.memref_slice %arg6[%dma_wait3A_315, %dma_wait3A_317, %dma_wait3A_318] : memref<5x128x128xf32, #tpu.memory_space<vmem>> -> memref<1x128x128xf32, #tpu.memory_space<vmem>>
    %dma_wait3A_320 = tpu.memref_squeeze %dma_wait3A_319 : memref<1x128x128xf32, #tpu.memory_space<vmem>> -> memref<128x128xf32, #tpu.memory_space<vmem>>
    %dma_wait3A_321 = arith.constant 0 : i32
    %dma_wait3A_322 = tpu.memref_slice %arg4[%mul3A_2, %dma_wait3A_321] : memref<204800x128xf32, #tpu.memory_space<hbm>> -> memref<128x128xf32, #tpu.memory_space<hbm>>
    %dma_wait3A_323 = tpu.memref_slice %arg8[%dma_wait3A_316] : memref<5x!tpu.dma_semaphore, #tpu.memory_space<semaphore_mem>> -> memref<1x!tpu.dma_semaphore, #tpu.memory_space<semaphore_mem>>
    %dma_wait3A_324 = tpu.memref_squeeze %dma_wait3A_323 : memref<1x!tpu.dma_semaphore, #tpu.memory_space<semaphore_mem>> -> memref<!tpu.dma_semaphore, #tpu.memory_space<semaphore_mem>>
    %dma_wait3A_325 = arith.constant 0 : i32
    %dma_wait3A_326 = tpu.memref_slice %arg4[%mul3A_2, %dma_wait3A_325] : memref<204800x128xf32, #tpu.memory_space<hbm>> -> memref<128x128xf32, #tpu.memory_space<hbm>>
    %dma_wait3A_327 = arith.constant 0 : i32
    %dma_wait3A_328 = arith.constant 0 : i32
    %dma_wait3A_329 = tpu.memref_slice %arg6[%dma_wait3A_315, %dma_wait3A_327, %dma_wait3A_328] : memref<5x128x128xf32, #tpu.memory_space<vmem>> -> memref<1x128x128xf32, #tpu.memory_space<vmem>>
    %dma_wait3A_330 = tpu.memref_squeeze %dma_wait3A_329 : memref<1x128x128xf32, #tpu.memory_space<vmem>> -> memref<128x128xf32, #tpu.memory_space<vmem>>
    tpu.wait_dma2 semaphore(%dma_wait3A_324 : memref<!tpu.dma_semaphore, #tpu.memory_space<semaphore_mem>>) src(%dma_wait3A_330 : memref<128x128xf32, #tpu.memory_space<vmem>>) dst(%dma_wait3A_326 : memref<128x128xf32, #tpu.memory_space<hbm>>)
    %dma_start3A_331 = arith.constant 2 : i32
    %dma_start3A_332 = arith.constant 2 : i32
    %dma_start3A_333 = arith.constant 0 : i32
    %dma_start3A_334 = arith.constant 0 : i32
    %dma_start3A_335 = tpu.memref_slice %arg6[%dma_start3A_331, %dma_start3A_333, %dma_start3A_334] : memref<5x128x128xf32, #tpu.memory_space<vmem>> -> memref<1x128x128xf32, #tpu.memory_space<vmem>>
    %dma_start3A_336 = tpu.memref_squeeze %dma_start3A_335 : memref<1x128x128xf32, #tpu.memory_space<vmem>> -> memref<128x128xf32, #tpu.memory_space<vmem>>
    %dma_start3A_337 = arith.constant 6016 : i32
    %dma_start3A_338 = tpu.memref_slice %arg5[%dma_start3A_337] : memref<6400xi32, #tpu.memory_space<vmem>> -> memref<128xi32, #tpu.memory_space<vmem>>
    %dma_start3A_339 = arith.constant 0 : i32
    %dma_start3A_340 = arith.constant 0 : i32
    %dma_start3A_341 = tpu.memref_slice %arg2[%dma_start3A_339, %dma_start3A_340] : memref<100000x128xf32, #tpu.memory_space<hbm>> -> memref<100000x128xf32, #tpu.memory_space<hbm>>
    %dma_start3A_342 = tpu.memref_slice %arg7[%dma_start3A_332] : memref<5x!tpu.dma_semaphore, #tpu.memory_space<semaphore_mem>> -> memref<1x!tpu.dma_semaphore, #tpu.memory_space<semaphore_mem>>
    %dma_start3A_343 = tpu.memref_squeeze %dma_start3A_342 : memref<1x!tpu.dma_semaphore, #tpu.memory_space<semaphore_mem>> -> memref<!tpu.dma_semaphore, #tpu.memory_space<semaphore_mem>>
    tpu.enqueue_indirect_dma source(%dma_start3A_341 : memref<100000x128xf32, #tpu.memory_space<hbm>>) target(%dma_start3A_336 : memref<128x128xf32, #tpu.memory_space<vmem>>) offsets(%dma_start3A_338 : memref<128xi32, #tpu.memory_space<vmem>>) semaphore(%dma_start3A_343 : memref<!tpu.dma_semaphore, #tpu.memory_space<semaphore_mem>>)
    %dma_wait3A_344 = arith.constant 1 : i32
    %dma_wait3A_345 = arith.constant 1 : i32
    %dma_wait3A_346 = arith.constant 0 : i32
    %dma_wait3A_347 = arith.constant 0 : i32
    %dma_wait3A_348 = tpu.memref_slice %arg6[%dma_wait3A_344, %dma_wait3A_346, %dma_wait3A_347] : memref<5x128x128xf32, #tpu.memory_space<vmem>> -> memref<1x128x128xf32, #tpu.memory_space<vmem>>
    %dma_wait3A_349 = tpu.memref_squeeze %dma_wait3A_348 : memref<1x128x128xf32, #tpu.memory_space<vmem>> -> memref<128x128xf32, #tpu.memory_space<vmem>>
    %dma_wait3A_350 = arith.constant 0 : i32
    %dma_wait3A_351 = tpu.memref_slice %arg5[%dma_wait3A_350] : memref<6400xi32, #tpu.memory_space<vmem>> -> memref<128xi32, #tpu.memory_space<vmem>>
    %dma_wait3A_352 = arith.constant 0 : i32
    %dma_wait3A_353 = arith.constant 0 : i32
    %dma_wait3A_354 = tpu.memref_slice %arg2[%dma_wait3A_352, %dma_wait3A_353] : memref<100000x128xf32, #tpu.memory_space<hbm>> -> memref<100000x128xf32, #tpu.memory_space<hbm>>
    %dma_wait3A_355 = tpu.memref_slice %arg7[%dma_wait3A_345] : memref<5x!tpu.dma_semaphore, #tpu.memory_space<semaphore_mem>> -> memref<1x!tpu.dma_semaphore, #tpu.memory_space<semaphore_mem>>
    %dma_wait3A_356 = tpu.memref_squeeze %dma_wait3A_355 : memref<1x!tpu.dma_semaphore, #tpu.memory_space<semaphore_mem>> -> memref<!tpu.dma_semaphore, #tpu.memory_space<semaphore_mem>>
    tpu.wait_indirect_dma semaphore(%dma_wait3A_356 : memref<!tpu.dma_semaphore, #tpu.memory_space<semaphore_mem>>) src(%dma_wait3A_354 : memref<100000x128xf32, #tpu.memory_space<hbm>>) dst(%dma_wait3A_349 : memref<128x128xf32, #tpu.memory_space<vmem>>)
    %add3A_357 = arith.constant 5888 : i32
    %add3A_358 = arith.addi %mul3A_2, %add3A_357 : i32
    %dma_start3A_359 = arith.constant 1 : i32
    %dma_start3A_360 = arith.constant 1 : i32
    %dma_start3A_361 = arith.constant 0 : i32
    %dma_start3A_362 = arith.constant 0 : i32
    %dma_start3A_363 = tpu.memref_slice %arg6[%dma_start3A_359, %dma_start3A_361, %dma_start3A_362] : memref<5x128x128xf32, #tpu.memory_space<vmem>> -> memref<1x128x128xf32, #tpu.memory_space<vmem>>
    %dma_start3A_364 = tpu.memref_squeeze %dma_start3A_363 : memref<1x128x128xf32, #tpu.memory_space<vmem>> -> memref<128x128xf32, #tpu.memory_space<vmem>>
    %dma_start3A_365 = arith.constant 0 : i32
    %dma_start3A_366 = tpu.memref_slice %arg4[%add3A_358, %dma_start3A_365] : memref<204800x128xf32, #tpu.memory_space<hbm>> -> memref<128x128xf32, #tpu.memory_space<hbm>>
    %dma_start3A_367 = tpu.memref_slice %arg8[%dma_start3A_360] : memref<5x!tpu.dma_semaphore, #tpu.memory_space<semaphore_mem>> -> memref<1x!tpu.dma_semaphore, #tpu.memory_space<semaphore_mem>>
    %dma_start3A_368 = tpu.memref_squeeze %dma_start3A_367 : memref<1x!tpu.dma_semaphore, #tpu.memory_space<semaphore_mem>> -> memref<!tpu.dma_semaphore, #tpu.memory_space<semaphore_mem>>
    %dma_start3A_369 = arith.constant 0 : i32
    %dma_start3A_370 = tpu.memref_slice %arg4[%add3A_358, %dma_start3A_369] : memref<204800x128xf32, #tpu.memory_space<hbm>> -> memref<128x128xf32, #tpu.memory_space<hbm>>
    %dma_start3A_371 = arith.constant 0 : i32
    %dma_start3A_372 = arith.constant 0 : i32
    %dma_start3A_373 = tpu.memref_slice %arg6[%dma_start3A_359, %dma_start3A_371, %dma_start3A_372] : memref<5x128x128xf32, #tpu.memory_space<vmem>> -> memref<1x128x128xf32, #tpu.memory_space<vmem>>
    %dma_start3A_374 = tpu.memref_squeeze %dma_start3A_373 : memref<1x128x128xf32, #tpu.memory_space<vmem>> -> memref<128x128xf32, #tpu.memory_space<vmem>>
    tpu.enqueue_dma source(%dma_start3A_374 : memref<128x128xf32, #tpu.memory_space<vmem>>) target(%dma_start3A_370 : memref<128x128xf32, #tpu.memory_space<hbm>>) target_semaphore(%dma_start3A_368 : memref<!tpu.dma_semaphore, #tpu.memory_space<semaphore_mem>>)
    %dma_wait3A_375 = arith.constant 3 : i32
    %dma_wait3A_376 = arith.constant 3 : i32
    %dma_wait3A_377 = arith.constant 0 : i32
    %dma_wait3A_378 = arith.constant 0 : i32
    %dma_wait3A_379 = tpu.memref_slice %arg6[%dma_wait3A_375, %dma_wait3A_377, %dma_wait3A_378] : memref<5x128x128xf32, #tpu.memory_space<vmem>> -> memref<1x128x128xf32, #tpu.memory_space<vmem>>
    %dma_wait3A_380 = tpu.memref_squeeze %dma_wait3A_379 : memref<1x128x128xf32, #tpu.memory_space<vmem>> -> memref<128x128xf32, #tpu.memory_space<vmem>>
    %dma_wait3A_381 = arith.constant 0 : i32
    %dma_wait3A_382 = tpu.memref_slice %arg4[%mul3A_2, %dma_wait3A_381] : memref<204800x128xf32, #tpu.memory_space<hbm>> -> memref<128x128xf32, #tpu.memory_space<hbm>>
    %dma_wait3A_383 = tpu.memref_slice %arg8[%dma_wait3A_376] : memref<5x!tpu.dma_semaphore, #tpu.memory_space<semaphore_mem>> -> memref<1x!tpu.dma_semaphore, #tpu.memory_space<semaphore_mem>>
    %dma_wait3A_384 = tpu.memref_squeeze %dma_wait3A_383 : memref<1x!tpu.dma_semaphore, #tpu.memory_space<semaphore_mem>> -> memref<!tpu.dma_semaphore, #tpu.memory_space<semaphore_mem>>
    %dma_wait3A_385 = arith.constant 0 : i32
    %dma_wait3A_386 = tpu.memref_slice %arg4[%mul3A_2, %dma_wait3A_385] : memref<204800x128xf32, #tpu.memory_space<hbm>> -> memref<128x128xf32, #tpu.memory_space<hbm>>
    %dma_wait3A_387 = arith.constant 0 : i32
    %dma_wait3A_388 = arith.constant 0 : i32
    %dma_wait3A_389 = tpu.memref_slice %arg6[%dma_wait3A_375, %dma_wait3A_387, %dma_wait3A_388] : memref<5x128x128xf32, #tpu.memory_space<vmem>> -> memref<1x128x128xf32, #tpu.memory_space<vmem>>
    %dma_wait3A_390 = tpu.memref_squeeze %dma_wait3A_389 : memref<1x128x128xf32, #tpu.memory_space<vmem>> -> memref<128x128xf32, #tpu.memory_space<vmem>>
    tpu.wait_dma2 semaphore(%dma_wait3A_384 : memref<!tpu.dma_semaphore, #tpu.memory_space<semaphore_mem>>) src(%dma_wait3A_390 : memref<128x128xf32, #tpu.memory_space<vmem>>) dst(%dma_wait3A_386 : memref<128x128xf32, #tpu.memory_space<hbm>>)
    %dma_start3A_391 = arith.constant 3 : i32
    %dma_start3A_392 = arith.constant 3 : i32
    %dma_start3A_393 = arith.constant 0 : i32
    %dma_start3A_394 = arith.constant 0 : i32
    %dma_start3A_395 = tpu.memref_slice %arg6[%dma_start3A_391, %dma_start3A_393, %dma_start3A_394] : memref<5x128x128xf32, #tpu.memory_space<vmem>> -> memref<1x128x128xf32, #tpu.memory_space<vmem>>
    %dma_start3A_396 = tpu.memref_squeeze %dma_start3A_395 : memref<1x128x128xf32, #tpu.memory_space<vmem>> -> memref<128x128xf32, #tpu.memory_space<vmem>>
    %dma_start3A_397 = arith.constant 6144 : i32
    %dma_start3A_398 = tpu.memref_slice %arg5[%dma_start3A_397] : memref<6400xi32, #tpu.memory_space<vmem>> -> memref<128xi32, #tpu.memory_space<vmem>>
    %dma_start3A_399 = arith.constant 0 : i32
    %dma_start3A_400 = arith.constant 0 : i32
    %dma_start3A_401 = tpu.memref_slice %arg2[%dma_start3A_399, %dma_start3A_400] : memref<100000x128xf32, #tpu.memory_space<hbm>> -> memref<100000x128xf32, #tpu.memory_space<hbm>>
    %dma_start3A_402 = tpu.memref_slice %arg7[%dma_start3A_392] : memref<5x!tpu.dma_semaphore, #tpu.memory_space<semaphore_mem>> -> memref<1x!tpu.dma_semaphore, #tpu.memory_space<semaphore_mem>>
    %dma_start3A_403 = tpu.memref_squeeze %dma_start3A_402 : memref<1x!tpu.dma_semaphore, #tpu.memory_space<semaphore_mem>> -> memref<!tpu.dma_semaphore, #tpu.memory_space<semaphore_mem>>
    tpu.enqueue_indirect_dma source(%dma_start3A_401 : memref<100000x128xf32, #tpu.memory_space<hbm>>) target(%dma_start3A_396 : memref<128x128xf32, #tpu.memory_space<vmem>>) offsets(%dma_start3A_398 : memref<128xi32, #tpu.memory_space<vmem>>) semaphore(%dma_start3A_403 : memref<!tpu.dma_semaphore, #tpu.memory_space<semaphore_mem>>)
    %dma_wait3A_404 = arith.constant 2 : i32
    %dma_wait3A_405 = arith.constant 2 : i32
    %dma_wait3A_406 = arith.constant 0 : i32
    %dma_wait3A_407 = arith.constant 0 : i32
    %dma_wait3A_408 = tpu.memref_slice %arg6[%dma_wait3A_404, %dma_wait3A_406, %dma_wait3A_407] : memref<5x128x128xf32, #tpu.memory_space<vmem>> -> memref<1x128x128xf32, #tpu.memory_space<vmem>>
    %dma_wait3A_409 = tpu.memref_squeeze %dma_wait3A_408 : memref<1x128x128xf32, #tpu.memory_space<vmem>> -> memref<128x128xf32, #tpu.memory_space<vmem>>
    %dma_wait3A_410 = arith.constant 0 : i32
    %dma_wait3A_411 = tpu.memref_slice %arg5[%dma_wait3A_410] : memref<6400xi32, #tpu.memory_space<vmem>> -> memref<128xi32, #tpu.memory_space<vmem>>
    %dma_wait3A_412 = arith.constant 0 : i32
    %dma_wait3A_413 = arith.constant 0 : i32
    %dma_wait3A_414 = tpu.memref_slice %arg2[%dma_wait3A_412, %dma_wait3A_413] : memref<100000x128xf32, #tpu.memory_space<hbm>> -> memref<100000x128xf32, #tpu.memory_space<hbm>>
    %dma_wait3A_415 = tpu.memref_slice %arg7[%dma_wait3A_405] : memref<5x!tpu.dma_semaphore, #tpu.memory_space<semaphore_mem>> -> memref<1x!tpu.dma_semaphore, #tpu.memory_space<semaphore_mem>>
    %dma_wait3A_416 = tpu.memref_squeeze %dma_wait3A_415 : memref<1x!tpu.dma_semaphore, #tpu.memory_space<semaphore_mem>> -> memref<!tpu.dma_semaphore, #tpu.memory_space<semaphore_mem>>
    tpu.wait_indirect_dma semaphore(%dma_wait3A_416 : memref<!tpu.dma_semaphore, #tpu.memory_space<semaphore_mem>>) src(%dma_wait3A_414 : memref<100000x128xf32, #tpu.memory_space<hbm>>) dst(%dma_wait3A_409 : memref<128x128xf32, #tpu.memory_space<vmem>>)
    %add3A_417 = arith.constant 6016 : i32
    %add3A_418 = arith.addi %mul3A_2, %add3A_417 : i32
    %dma_start3A_419 = arith.constant 2 : i32
    %dma_start3A_420 = arith.constant 2 : i32
    %dma_start3A_421 = arith.constant 0 : i32
    %dma_start3A_422 = arith.constant 0 : i32
    %dma_start3A_423 = tpu.memref_slice %arg6[%dma_start3A_419, %dma_start3A_421, %dma_start3A_422] : memref<5x128x128xf32, #tpu.memory_space<vmem>> -> memref<1x128x128xf32, #tpu.memory_space<vmem>>
    %dma_start3A_424 = tpu.memref_squeeze %dma_start3A_423 : memref<1x128x128xf32, #tpu.memory_space<vmem>> -> memref<128x128xf32, #tpu.memory_space<vmem>>
    %dma_start3A_425 = arith.constant 0 : i32
    %dma_start3A_426 = tpu.memref_slice %arg4[%add3A_418, %dma_start3A_425] : memref<204800x128xf32, #tpu.memory_space<hbm>> -> memref<128x128xf32, #tpu.memory_space<hbm>>
    %dma_start3A_427 = tpu.memref_slice %arg8[%dma_start3A_420] : memref<5x!tpu.dma_semaphore, #tpu.memory_space<semaphore_mem>> -> memref<1x!tpu.dma_semaphore, #tpu.memory_space<semaphore_mem>>
    %dma_start3A_428 = tpu.memref_squeeze %dma_start3A_427 : memref<1x!tpu.dma_semaphore, #tpu.memory_space<semaphore_mem>> -> memref<!tpu.dma_semaphore, #tpu.memory_space<semaphore_mem>>
    %dma_start3A_429 = arith.constant 0 : i32
    %dma_start3A_430 = tpu.memref_slice %arg4[%add3A_418, %dma_start3A_429] : memref<204800x128xf32, #tpu.memory_space<hbm>> -> memref<128x128xf32, #tpu.memory_space<hbm>>
    %dma_start3A_431 = arith.constant 0 : i32
    %dma_start3A_432 = arith.constant 0 : i32
    %dma_start3A_433 = tpu.memref_slice %arg6[%dma_start3A_419, %dma_start3A_431, %dma_start3A_432] : memref<5x128x128xf32, #tpu.memory_space<vmem>> -> memref<1x128x128xf32, #tpu.memory_space<vmem>>
    %dma_start3A_434 = tpu.memref_squeeze %dma_start3A_433 : memref<1x128x128xf32, #tpu.memory_space<vmem>> -> memref<128x128xf32, #tpu.memory_space<vmem>>
    tpu.enqueue_dma source(%dma_start3A_434 : memref<128x128xf32, #tpu.memory_space<vmem>>) target(%dma_start3A_430 : memref<128x128xf32, #tpu.memory_space<hbm>>) target_semaphore(%dma_start3A_428 : memref<!tpu.dma_semaphore, #tpu.memory_space<semaphore_mem>>)
    %dma_wait3A_435 = arith.constant 4 : i32
    %dma_wait3A_436 = arith.constant 4 : i32
    %dma_wait3A_437 = arith.constant 0 : i32
    %dma_wait3A_438 = arith.constant 0 : i32
    %dma_wait3A_439 = tpu.memref_slice %arg6[%dma_wait3A_435, %dma_wait3A_437, %dma_wait3A_438] : memref<5x128x128xf32, #tpu.memory_space<vmem>> -> memref<1x128x128xf32, #tpu.memory_space<vmem>>
    %dma_wait3A_440 = tpu.memref_squeeze %dma_wait3A_439 : memref<1x128x128xf32, #tpu.memory_space<vmem>> -> memref<128x128xf32, #tpu.memory_space<vmem>>
    %dma_wait3A_441 = arith.constant 0 : i32
    %dma_wait3A_442 = tpu.memref_slice %arg4[%mul3A_2, %dma_wait3A_441] : memref<204800x128xf32, #tpu.memory_space<hbm>> -> memref<128x128xf32, #tpu.memory_space<hbm>>
    %dma_wait3A_443 = tpu.memref_slice %arg8[%dma_wait3A_436] : memref<5x!tpu.dma_semaphore, #tpu.memory_space<semaphore_mem>> -> memref<1x!tpu.dma_semaphore, #tpu.memory_space<semaphore_mem>>
    %dma_wait3A_444 = tpu.memref_squeeze %dma_wait3A_443 : memref<1x!tpu.dma_semaphore, #tpu.memory_space<semaphore_mem>> -> memref<!tpu.dma_semaphore, #tpu.memory_space<semaphore_mem>>
    %dma_wait3A_445 = arith.constant 0 : i32
    %dma_wait3A_446 = tpu.memref_slice %arg4[%mul3A_2, %dma_wait3A_445] : memref<204800x128xf32, #tpu.memory_space<hbm>> -> memref<128x128xf32, #tpu.memory_space<hbm>>
    %dma_wait3A_447 = arith.constant 0 : i32
    %dma_wait3A_448 = arith.constant 0 : i32
    %dma_wait3A_449 = tpu.memref_slice %arg6[%dma_wait3A_435, %dma_wait3A_447, %dma_wait3A_448] : memref<5x128x128xf32, #tpu.memory_space<vmem>> -> memref<1x128x128xf32, #tpu.memory_space<vmem>>
    %dma_wait3A_450 = tpu.memref_squeeze %dma_wait3A_449 : memref<1x128x128xf32, #tpu.memory_space<vmem>> -> memref<128x128xf32, #tpu.memory_space<vmem>>
    tpu.wait_dma2 semaphore(%dma_wait3A_444 : memref<!tpu.dma_semaphore, #tpu.memory_space<semaphore_mem>>) src(%dma_wait3A_450 : memref<128x128xf32, #tpu.memory_space<vmem>>) dst(%dma_wait3A_446 : memref<128x128xf32, #tpu.memory_space<hbm>>)
    %dma_start3A_451 = arith.constant 4 : i32
    %dma_start3A_452 = arith.constant 4 : i32
    %dma_start3A_453 = arith.constant 0 : i32
    %dma_start3A_454 = arith.constant 0 : i32
    %dma_start3A_455 = tpu.memref_slice %arg6[%dma_start3A_451, %dma_start3A_453, %dma_start3A_454] : memref<5x128x128xf32, #tpu.memory_space<vmem>> -> memref<1x128x128xf32, #tpu.memory_space<vmem>>
    %dma_start3A_456 = tpu.memref_squeeze %dma_start3A_455 : memref<1x128x128xf32, #tpu.memory_space<vmem>> -> memref<128x128xf32, #tpu.memory_space<vmem>>
    %dma_start3A_457 = arith.constant 6272 : i32
    %dma_start3A_458 = tpu.memref_slice %arg5[%dma_start3A_457] : memref<6400xi32, #tpu.memory_space<vmem>> -> memref<128xi32, #tpu.memory_space<vmem>>
    %dma_start3A_459 = arith.constant 0 : i32
    %dma_start3A_460 = arith.constant 0 : i32
    %dma_start3A_461 = tpu.memref_slice %arg2[%dma_start3A_459, %dma_start3A_460] : memref<100000x128xf32, #tpu.memory_space<hbm>> -> memref<100000x128xf32, #tpu.memory_space<hbm>>
    %dma_start3A_462 = tpu.memref_slice %arg7[%dma_start3A_452] : memref<5x!tpu.dma_semaphore, #tpu.memory_space<semaphore_mem>> -> memref<1x!tpu.dma_semaphore, #tpu.memory_space<semaphore_mem>>
    %dma_start3A_463 = tpu.memref_squeeze %dma_start3A_462 : memref<1x!tpu.dma_semaphore, #tpu.memory_space<semaphore_mem>> -> memref<!tpu.dma_semaphore, #tpu.memory_space<semaphore_mem>>
    tpu.enqueue_indirect_dma source(%dma_start3A_461 : memref<100000x128xf32, #tpu.memory_space<hbm>>) target(%dma_start3A_456 : memref<128x128xf32, #tpu.memory_space<vmem>>) offsets(%dma_start3A_458 : memref<128xi32, #tpu.memory_space<vmem>>) semaphore(%dma_start3A_463 : memref<!tpu.dma_semaphore, #tpu.memory_space<semaphore_mem>>)
    %dma_wait3A_464 = arith.constant 3 : i32
    %dma_wait3A_465 = arith.constant 3 : i32
    %dma_wait3A_466 = arith.constant 0 : i32
    %dma_wait3A_467 = arith.constant 0 : i32
    %dma_wait3A_468 = tpu.memref_slice %arg6[%dma_wait3A_464, %dma_wait3A_466, %dma_wait3A_467] : memref<5x128x128xf32, #tpu.memory_space<vmem>> -> memref<1x128x128xf32, #tpu.memory_space<vmem>>
    %dma_wait3A_469 = tpu.memref_squeeze %dma_wait3A_468 : memref<1x128x128xf32, #tpu.memory_space<vmem>> -> memref<128x128xf32, #tpu.memory_space<vmem>>
    %dma_wait3A_470 = arith.constant 0 : i32
    %dma_wait3A_471 = tpu.memref_slice %arg5[%dma_wait3A_470] : memref<6400xi32, #tpu.memory_space<vmem>> -> memref<128xi32, #tpu.memory_space<vmem>>
    %dma_wait3A_472 = arith.constant 0 : i32
    %dma_wait3A_473 = arith.constant 0 : i32
    %dma_wait3A_474 = tpu.memref_slice %arg2[%dma_wait3A_472, %dma_wait3A_473] : memref<100000x128xf32, #tpu.memory_space<hbm>> -> memref<100000x128xf32, #tpu.memory_space<hbm>>
    %dma_wait3A_475 = tpu.memref_slice %arg7[%dma_wait3A_465] : memref<5x!tpu.dma_semaphore, #tpu.memory_space<semaphore_mem>> -> memref<1x!tpu.dma_semaphore, #tpu.memory_space<semaphore_mem>>
    %dma_wait3A_476 = tpu.memref_squeeze %dma_wait3A_475 : memref<1x!tpu.dma_semaphore, #tpu.memory_space<semaphore_mem>> -> memref<!tpu.dma_semaphore, #tpu.memory_space<semaphore_mem>>
    tpu.wait_indirect_dma semaphore(%dma_wait3A_476 : memref<!tpu.dma_semaphore, #tpu.memory_space<semaphore_mem>>) src(%dma_wait3A_474 : memref<100000x128xf32, #tpu.memory_space<hbm>>) dst(%dma_wait3A_469 : memref<128x128xf32, #tpu.memory_space<vmem>>)
    %add3A_477 = arith.constant 6144 : i32
    %add3A_478 = arith.addi %mul3A_2, %add3A_477 : i32
    %dma_start3A_479 = arith.constant 3 : i32
    %dma_start3A_480 = arith.constant 3 : i32
    %dma_start3A_481 = arith.constant 0 : i32
    %dma_start3A_482 = arith.constant 0 : i32
    %dma_start3A_483 = tpu.memref_slice %arg6[%dma_start3A_479, %dma_start3A_481, %dma_start3A_482] : memref<5x128x128xf32, #tpu.memory_space<vmem>> -> memref<1x128x128xf32, #tpu.memory_space<vmem>>
    %dma_start3A_484 = tpu.memref_squeeze %dma_start3A_483 : memref<1x128x128xf32, #tpu.memory_space<vmem>> -> memref<128x128xf32, #tpu.memory_space<vmem>>
    %dma_start3A_485 = arith.constant 0 : i32
    %dma_start3A_486 = tpu.memref_slice %arg4[%add3A_478, %dma_start3A_485] : memref<204800x128xf32, #tpu.memory_space<hbm>> -> memref<128x128xf32, #tpu.memory_space<hbm>>
    %dma_start3A_487 = tpu.memref_slice %arg8[%dma_start3A_480] : memref<5x!tpu.dma_semaphore, #tpu.memory_space<semaphore_mem>> -> memref<1x!tpu.dma_semaphore, #tpu.memory_space<semaphore_mem>>
    %dma_start3A_488 = tpu.memref_squeeze %dma_start3A_487 : memref<1x!tpu.dma_semaphore, #tpu.memory_space<semaphore_mem>> -> memref<!tpu.dma_semaphore, #tpu.memory_space<semaphore_mem>>
    %dma_start3A_489 = arith.constant 0 : i32
    %dma_start3A_490 = tpu.memref_slice %arg4[%add3A_478, %dma_start3A_489] : memref<204800x128xf32, #tpu.memory_space<hbm>> -> memref<128x128xf32, #tpu.memory_space<hbm>>
    %dma_start3A_491 = arith.constant 0 : i32
    %dma_start3A_492 = arith.constant 0 : i32
    %dma_start3A_493 = tpu.memref_slice %arg6[%dma_start3A_479, %dma_start3A_491, %dma_start3A_492] : memref<5x128x128xf32, #tpu.memory_space<vmem>> -> memref<1x128x128xf32, #tpu.memory_space<vmem>>
    %dma_start3A_494 = tpu.memref_squeeze %dma_start3A_493 : memref<1x128x128xf32, #tpu.memory_space<vmem>> -> memref<128x128xf32, #tpu.memory_space<vmem>>
    tpu.enqueue_dma source(%dma_start3A_494 : memref<128x128xf32, #tpu.memory_space<vmem>>) target(%dma_start3A_490 : memref<128x128xf32, #tpu.memory_space<hbm>>) target_semaphore(%dma_start3A_488 : memref<!tpu.dma_semaphore, #tpu.memory_space<semaphore_mem>>)
    %dma_wait3A_495 = arith.constant 4 : i32
    %dma_wait3A_496 = arith.constant 4 : i32
    %dma_wait3A_497 = arith.constant 0 : i32
    %dma_wait3A_498 = arith.constant 0 : i32
    %dma_wait3A_499 = tpu.memref_slice %arg6[%dma_wait3A_495, %dma_wait3A_497, %dma_wait3A_498] : memref<5x128x128xf32, #tpu.memory_space<vmem>> -> memref<1x128x128xf32, #tpu.memory_space<vmem>>
    %dma_wait3A_500 = tpu.memref_squeeze %dma_wait3A_499 : memref<1x128x128xf32, #tpu.memory_space<vmem>> -> memref<128x128xf32, #tpu.memory_space<vmem>>
    %dma_wait3A_501 = arith.constant 0 : i32
    %dma_wait3A_502 = tpu.memref_slice %arg5[%dma_wait3A_501] : memref<6400xi32, #tpu.memory_space<vmem>> -> memref<128xi32, #tpu.memory_space<vmem>>
    %dma_wait3A_503 = arith.constant 0 : i32
    %dma_wait3A_504 = arith.constant 0 : i32
    %dma_wait3A_505 = tpu.memref_slice %arg2[%dma_wait3A_503, %dma_wait3A_504] : memref<100000x128xf32, #tpu.memory_space<hbm>> -> memref<100000x128xf32, #tpu.memory_space<hbm>>
    %dma_wait3A_506 = tpu.memref_slice %arg7[%dma_wait3A_496] : memref<5x!tpu.dma_semaphore, #tpu.memory_space<semaphore_mem>> -> memref<1x!tpu.dma_semaphore, #tpu.memory_space<semaphore_mem>>
    %dma_wait3A_507 = tpu.memref_squeeze %dma_wait3A_506 : memref<1x!tpu.dma_semaphore, #tpu.memory_space<semaphore_mem>> -> memref<!tpu.dma_semaphore, #tpu.memory_space<semaphore_mem>>
    tpu.wait_indirect_dma semaphore(%dma_wait3A_507 : memref<!tpu.dma_semaphore, #tpu.memory_space<semaphore_mem>>) src(%dma_wait3A_505 : memref<100000x128xf32, #tpu.memory_space<hbm>>) dst(%dma_wait3A_500 : memref<128x128xf32, #tpu.memory_space<vmem>>)
    %add3A_508 = arith.constant 6272 : i32
    %add3A_509 = arith.addi %mul3A_2, %add3A_508 : i32
    %dma_start3A_510 = arith.constant 4 : i32
    %dma_start3A_511 = arith.constant 4 : i32
    %dma_start3A_512 = arith.constant 0 : i32
    %dma_start3A_513 = arith.constant 0 : i32
    %dma_start3A_514 = tpu.memref_slice %arg6[%dma_start3A_510, %dma_start3A_512, %dma_start3A_513] : memref<5x128x128xf32, #tpu.memory_space<vmem>> -> memref<1x128x128xf32, #tpu.memory_space<vmem>>
    %dma_start3A_515 = tpu.memref_squeeze %dma_start3A_514 : memref<1x128x128xf32, #tpu.memory_space<vmem>> -> memref<128x128xf32, #tpu.memory_space<vmem>>
    %dma_start3A_516 = arith.constant 0 : i32
    %dma_start3A_517 = tpu.memref_slice %arg4[%add3A_509, %dma_start3A_516] : memref<204800x128xf32, #tpu.memory_space<hbm>> -> memref<128x128xf32, #tpu.memory_space<hbm>>
    %dma_start3A_518 = tpu.memref_slice %arg8[%dma_start3A_511] : memref<5x!tpu.dma_semaphore, #tpu.memory_space<semaphore_mem>> -> memref<1x!tpu.dma_semaphore, #tpu.memory_space<semaphore_mem>>
    %dma_start3A_519 = tpu.memref_squeeze %dma_start3A_518 : memref<1x!tpu.dma_semaphore, #tpu.memory_space<semaphore_mem>> -> memref<!tpu.dma_semaphore, #tpu.memory_space<semaphore_mem>>
    %dma_start3A_520 = arith.constant 0 : i32
    %dma_start3A_521 = tpu.memref_slice %arg4[%add3A_509, %dma_start3A_520] : memref<204800x128xf32, #tpu.memory_space<hbm>> -> memref<128x128xf32, #tpu.memory_space<hbm>>
    %dma_start3A_522 = arith.constant 0 : i32
    %dma_start3A_523 = arith.constant 0 : i32
    %dma_start3A_524 = tpu.memref_slice %arg6[%dma_start3A_510, %dma_start3A_522, %dma_start3A_523] : memref<5x128x128xf32, #tpu.memory_space<vmem>> -> memref<1x128x128xf32, #tpu.memory_space<vmem>>
    %dma_start3A_525 = tpu.memref_squeeze %dma_start3A_524 : memref<1x128x128xf32, #tpu.memory_space<vmem>> -> memref<128x128xf32, #tpu.memory_space<vmem>>
    tpu.enqueue_dma source(%dma_start3A_525 : memref<128x128xf32, #tpu.memory_space<vmem>>) target(%dma_start3A_521 : memref<128x128xf32, #tpu.memory_space<hbm>>) target_semaphore(%dma_start3A_519 : memref<!tpu.dma_semaphore, #tpu.memory_space<semaphore_mem>>)
    %dma_wait3A_526 = arith.constant 0 : i32
    %dma_wait3A_527 = arith.constant 0 : i32
    %dma_wait3A_528 = arith.constant 0 : i32
    %dma_wait3A_529 = arith.constant 0 : i32
    %dma_wait3A_530 = tpu.memref_slice %arg6[%dma_wait3A_526, %dma_wait3A_528, %dma_wait3A_529] : memref<5x128x128xf32, #tpu.memory_space<vmem>> -> memref<1x128x128xf32, #tpu.memory_space<vmem>>
    %dma_wait3A_531 = tpu.memref_squeeze %dma_wait3A_530 : memref<1x128x128xf32, #tpu.memory_space<vmem>> -> memref<128x128xf32, #tpu.memory_space<vmem>>
    %dma_wait3A_532 = arith.constant 0 : i32
    %dma_wait3A_533 = tpu.memref_slice %arg4[%mul3A_2, %dma_wait3A_532] : memref<204800x128xf32, #tpu.memory_space<hbm>> -> memref<128x128xf32, #tpu.memory_space<hbm>>
    %dma_wait3A_534 = tpu.memref_slice %arg8[%dma_wait3A_527] : memref<5x!tpu.dma_semaphore, #tpu.memory_space<semaphore_mem>> -> memref<1x!tpu.dma_semaphore, #tpu.memory_space<semaphore_mem>>
    %dma_wait3A_535 = tpu.memref_squeeze %dma_wait3A_534 : memref<1x!tpu.dma_semaphore, #tpu.memory_space<semaphore_mem>> -> memref<!tpu.dma_semaphore, #tpu.memory_space<semaphore_mem>>
    %dma_wait3A_536 = arith.constant 0 : i32
    %dma_wait3A_537 = tpu.memref_slice %arg4[%mul3A_2, %dma_wait3A_536] : memref<204800x128xf32, #tpu.memory_space<hbm>> -> memref<128x128xf32, #tpu.memory_space<hbm>>
    %dma_wait3A_538 = arith.constant 0 : i32
    %dma_wait3A_539 = arith.constant 0 : i32
    %dma_wait3A_540 = tpu.memref_slice %arg6[%dma_wait3A_526, %dma_wait3A_538, %dma_wait3A_539] : memref<5x128x128xf32, #tpu.memory_space<vmem>> -> memref<1x128x128xf32, #tpu.memory_space<vmem>>
    %dma_wait3A_541 = tpu.memref_squeeze %dma_wait3A_540 : memref<1x128x128xf32, #tpu.memory_space<vmem>> -> memref<128x128xf32, #tpu.memory_space<vmem>>
    tpu.wait_dma2 semaphore(%dma_wait3A_535 : memref<!tpu.dma_semaphore, #tpu.memory_space<semaphore_mem>>) src(%dma_wait3A_541 : memref<128x128xf32, #tpu.memory_space<vmem>>) dst(%dma_wait3A_537 : memref<128x128xf32, #tpu.memory_space<hbm>>)
    %dma_wait3A_542 = arith.constant 1 : i32
    %dma_wait3A_543 = arith.constant 1 : i32
    %dma_wait3A_544 = arith.constant 0 : i32
    %dma_wait3A_545 = arith.constant 0 : i32
    %dma_wait3A_546 = tpu.memref_slice %arg6[%dma_wait3A_542, %dma_wait3A_544, %dma_wait3A_545] : memref<5x128x128xf32, #tpu.memory_space<vmem>> -> memref<1x128x128xf32, #tpu.memory_space<vmem>>
    %dma_wait3A_547 = tpu.memref_squeeze %dma_wait3A_546 : memref<1x128x128xf32, #tpu.memory_space<vmem>> -> memref<128x128xf32, #tpu.memory_space<vmem>>
    %dma_wait3A_548 = arith.constant 0 : i32
    %dma_wait3A_549 = tpu.memref_slice %arg4[%mul3A_2, %dma_wait3A_548] : memref<204800x128xf32, #tpu.memory_space<hbm>> -> memref<128x128xf32, #tpu.memory_space<hbm>>
    %dma_wait3A_550 = tpu.memref_slice %arg8[%dma_wait3A_543] : memref<5x!tpu.dma_semaphore, #tpu.memory_space<semaphore_mem>> -> memref<1x!tpu.dma_semaphore, #tpu.memory_space<semaphore_mem>>
    %dma_wait3A_551 = tpu.memref_squeeze %dma_wait3A_550 : memref<1x!tpu.dma_semaphore, #tpu.memory_space<semaphore_mem>> -> memref<!tpu.dma_semaphore, #tpu.memory_space<semaphore_mem>>
    %dma_wait3A_552 = arith.constant 0 : i32
    %dma_wait3A_553 = tpu.memref_slice %arg4[%mul3A_2, %dma_wait3A_552] : memref<204800x128xf32, #tpu.memory_space<hbm>> -> memref<128x128xf32, #tpu.memory_space<hbm>>
    %dma_wait3A_554 = arith.constant 0 : i32
    %dma_wait3A_555 = arith.constant 0 : i32
    %dma_wait3A_556 = tpu.memref_slice %arg6[%dma_wait3A_542, %dma_wait3A_554, %dma_wait3A_555] : memref<5x128x128xf32, #tpu.memory_space<vmem>> -> memref<1x128x128xf32, #tpu.memory_space<vmem>>
    %dma_wait3A_557 = tpu.memref_squeeze %dma_wait3A_556 : memref<1x128x128xf32, #tpu.memory_space<vmem>> -> memref<128x128xf32, #tpu.memory_space<vmem>>
    tpu.wait_dma2 semaphore(%dma_wait3A_551 : memref<!tpu.dma_semaphore, #tpu.memory_space<semaphore_mem>>) src(%dma_wait3A_557 : memref<128x128xf32, #tpu.memory_space<vmem>>) dst(%dma_wait3A_553 : memref<128x128xf32, #tpu.memory_space<hbm>>)
    %dma_wait3A_558 = arith.constant 2 : i32
    %dma_wait3A_559 = arith.constant 2 : i32
    %dma_wait3A_560 = arith.constant 0 : i32
    %dma_wait3A_561 = arith.constant 0 : i32
    %dma_wait3A_562 = tpu.memref_slice %arg6[%dma_wait3A_558, %dma_wait3A_560, %dma_wait3A_561] : memref<5x128x128xf32, #tpu.memory_space<vmem>> -> memref<1x128x128xf32, #tpu.memory_space<vmem>>
    %dma_wait3A_563 = tpu.memref_squeeze %dma_wait3A_562 : memref<1x128x128xf32, #tpu.memory_space<vmem>> -> memref<128x128xf32, #tpu.memory_space<vmem>>
    %dma_wait3A_564 = arith.constant 0 : i32
    %dma_wait3A_565 = tpu.memref_slice %arg4[%mul3A_2, %dma_wait3A_564] : memref<204800x128xf32, #tpu.memory_space<hbm>> -> memref<128x128xf32, #tpu.memory_space<hbm>>
    %dma_wait3A_566 = tpu.memref_slice %arg8[%dma_wait3A_559] : memref<5x!tpu.dma_semaphore, #tpu.memory_space<semaphore_mem>> -> memref<1x!tpu.dma_semaphore, #tpu.memory_space<semaphore_mem>>
    %dma_wait3A_567 = tpu.memref_squeeze %dma_wait3A_566 : memref<1x!tpu.dma_semaphore, #tpu.memory_space<semaphore_mem>> -> memref<!tpu.dma_semaphore, #tpu.memory_space<semaphore_mem>>
    %dma_wait3A_568 = arith.constant 0 : i32
    %dma_wait3A_569 = tpu.memref_slice %arg4[%mul3A_2, %dma_wait3A_568] : memref<204800x128xf32, #tpu.memory_space<hbm>> -> memref<128x128xf32, #tpu.memory_space<hbm>>
    %dma_wait3A_570 = arith.constant 0 : i32
    %dma_wait3A_571 = arith.constant 0 : i32
    %dma_wait3A_572 = tpu.memref_slice %arg6[%dma_wait3A_558, %dma_wait3A_570, %dma_wait3A_571] : memref<5x128x128xf32, #tpu.memory_space<vmem>> -> memref<1x128x128xf32, #tpu.memory_space<vmem>>
    %dma_wait3A_573 = tpu.memref_squeeze %dma_wait3A_572 : memref<1x128x128xf32, #tpu.memory_space<vmem>> -> memref<128x128xf32, #tpu.memory_space<vmem>>
    tpu.wait_dma2 semaphore(%dma_wait3A_567 : memref<!tpu.dma_semaphore, #tpu.memory_space<semaphore_mem>>) src(%dma_wait3A_573 : memref<128x128xf32, #tpu.memory_space<vmem>>) dst(%dma_wait3A_569 : memref<128x128xf32, #tpu.memory_space<hbm>>)
    %dma_wait3A_574 = arith.constant 3 : i32
    %dma_wait3A_575 = arith.constant 3 : i32
    %dma_wait3A_576 = arith.constant 0 : i32
    %dma_wait3A_577 = arith.constant 0 : i32
    %dma_wait3A_578 = tpu.memref_slice %arg6[%dma_wait3A_574, %dma_wait3A_576, %dma_wait3A_577] : memref<5x128x128xf32, #tpu.memory_space<vmem>> -> memref<1x128x128xf32, #tpu.memory_space<vmem>>
    %dma_wait3A_579 = tpu.memref_squeeze %dma_wait3A_578 : memref<1x128x128xf32, #tpu.memory_space<vmem>> -> memref<128x128xf32, #tpu.memory_space<vmem>>
    %dma_wait3A_580 = arith.constant 0 : i32
    %dma_wait3A_581 = tpu.memref_slice %arg4[%mul3A_2, %dma_wait3A_580] : memref<204800x128xf32, #tpu.memory_space<hbm>> -> memref<128x128xf32, #tpu.memory_space<hbm>>
    %dma_wait3A_582 = tpu.memref_slice %arg8[%dma_wait3A_575] : memref<5x!tpu.dma_semaphore, #tpu.memory_space<semaphore_mem>> -> memref<1x!tpu.dma_semaphore, #tpu.memory_space<semaphore_mem>>
    %dma_wait3A_583 = tpu.memref_squeeze %dma_wait3A_582 : memref<1x!tpu.dma_semaphore, #tpu.memory_space<semaphore_mem>> -> memref<!tpu.dma_semaphore, #tpu.memory_space<semaphore_mem>>
    %dma_wait3A_584 = arith.constant 0 : i32
    %dma_wait3A_585 = tpu.memref_slice %arg4[%mul3A_2, %dma_wait3A_584] : memref<204800x128xf32, #tpu.memory_space<hbm>> -> memref<128x128xf32, #tpu.memory_space<hbm>>
    %dma_wait3A_586 = arith.constant 0 : i32
    %dma_wait3A_587 = arith.constant 0 : i32
    %dma_wait3A_588 = tpu.memref_slice %arg6[%dma_wait3A_574, %dma_wait3A_586, %dma_wait3A_587] : memref<5x128x128xf32, #tpu.memory_space<vmem>> -> memref<1x128x128xf32, #tpu.memory_space<vmem>>
    %dma_wait3A_589 = tpu.memref_squeeze %dma_wait3A_588 : memref<1x128x128xf32, #tpu.memory_space<vmem>> -> memref<128x128xf32, #tpu.memory_space<vmem>>
    tpu.wait_dma2 semaphore(%dma_wait3A_583 : memref<!tpu.dma_semaphore, #tpu.memory_space<semaphore_mem>>) src(%dma_wait3A_589 : memref<128x128xf32, #tpu.memory_space<vmem>>) dst(%dma_wait3A_585 : memref<128x128xf32, #tpu.memory_space<hbm>>)
    %dma_wait3A_590 = arith.constant 4 : i32
    %dma_wait3A_591 = arith.constant 4 : i32
    %dma_wait3A_592 = arith.constant 0 : i32
    %dma_wait3A_593 = arith.constant 0 : i32
    %dma_wait3A_594 = tpu.memref_slice %arg6[%dma_wait3A_590, %dma_wait3A_592, %dma_wait3A_593] : memref<5x128x128xf32, #tpu.memory_space<vmem>> -> memref<1x128x128xf32, #tpu.memory_space<vmem>>
    %dma_wait3A_595 = tpu.memref_squeeze %dma_wait3A_594 : memref<1x128x128xf32, #tpu.memory_space<vmem>> -> memref<128x128xf32, #tpu.memory_space<vmem>>
    %dma_wait3A_596 = arith.constant 0 : i32
    %dma_wait3A_597 = tpu.memref_slice %arg4[%mul3A_2, %dma_wait3A_596] : memref<204800x128xf32, #tpu.memory_space<hbm>> -> memref<128x128xf32, #tpu.memory_space<hbm>>
    %dma_wait3A_598 = tpu.memref_slice %arg8[%dma_wait3A_591] : memref<5x!tpu.dma_semaphore, #tpu.memory_space<semaphore_mem>> -> memref<1x!tpu.dma_semaphore, #tpu.memory_space<semaphore_mem>>
    %dma_wait3A_599 = tpu.memref_squeeze %dma_wait3A_598 : memref<1x!tpu.dma_semaphore, #tpu.memory_space<semaphore_mem>> -> memref<!tpu.dma_semaphore, #tpu.memory_space<semaphore_mem>>
    %dma_wait3A_600 = arith.constant 0 : i32
    %dma_wait3A_601 = tpu.memref_slice %arg4[%mul3A_2, %dma_wait3A_600] : memref<204800x128xf32, #tpu.memory_space<hbm>> -> memref<128x128xf32, #tpu.memory_space<hbm>>
    %dma_wait3A_602 = arith.constant 0 : i32
    %dma_wait3A_603 = arith.constant 0 : i32
    %dma_wait3A_604 = tpu.memref_slice %arg6[%dma_wait3A_590, %dma_wait3A_602, %dma_wait3A_603] : memref<5x128x128xf32, #tpu.memory_space<vmem>> -> memref<1x128x128xf32, #tpu.memory_space<vmem>>
    %dma_wait3A_605 = tpu.memref_squeeze %dma_wait3A_604 : memref<1x128x128xf32, #tpu.memory_space<vmem>> -> memref<128x128xf32, #tpu.memory_space<vmem>>
    tpu.wait_dma2 semaphore(%dma_wait3A_599 : memref<!tpu.dma_semaphore, #tpu.memory_space<semaphore_mem>>) src(%dma_wait3A_605 : memref<128x128xf32, #tpu.memory_space<vmem>>) dst(%dma_wait3A_601 : memref<128x128xf32, #tpu.memory_space<hbm>>)
    return
  }
}

</mosaic_0001>

<sc_bundles>
// kernel: kernel.3.cloned.1.call-start
scs
__scs_entry_jumppad:
0x0: {  	(pc) =	sbr.rel $0x88, $3  }
0x1: {  	(tag) =	ssettag $0x0;
	lr =	simm.s32 $0x1  }
0x2: {  	[smem:$0x3F9F] =	sst lr;
	_ =	strace $0xD0000000  }
0x3: {  	_ = 	snop  }
0x4: {  	_ = 	snop  }
0x5: {  	_ = 	snop  }
0x6: {  	_ = 	snop  }
0x7: {  	_ = 	snop  }
__scs_overlays_trampoline_lowered:
0x8: {  	[smem:$0x3FAE] =	sst s0  }
0x9: {  	[smem:$0x3FAF] =	sst s1  }
0xa: {  	[smem:$0x3FB0] =	sst s2  }
0xb: {  	[smem:$0x3FB1] =	sst s3  }
0xc: {  	[smem:$0x3FB2] =	sst s4  }
0xd: {  	[smem:$0x3FB3] =	sst s5  }
0xe: {  	[smem:$0x3FB4] =	sst s6  }
0xf: {  	[smem:$0x3FB5] =	sst s7  }
0x10: {  	[smem:$0x3FB6] =	sst s8  }
0x11: {  	[smem:$0x3FB7] =	sst s9;
	s0 =	simm.s32 @!p0 $0x0  }
0x12: {  	s1 =	sld [smem:$0x3F9D];
	s0 =	simm.s32 @p0 $0x1  }
0x13: {  	[smem:$0x3FB8] =	sst s0;
	s0 =	simm.s32 @!p1 $0x0  }
0x14: {  	s2 =	sld [smem:$0x3F9C];
	s0 =	simm.s32 @p1 $0x1  }
0x15: {  	[smem:$0x3FB9] =	sst s0;
	s0 =	simm.s32 @!p2 $0x0  }
0x16: {  	s3 =	sld [smem:$0x3FDB];
	s0 =	simm.s32 @p2 $0x1  }
0x17: {  	s4 =	simm.s32 $0x1BF5;
	[smem:$0x3FBB] =	sst s0  }
0x18: {  	s0 =	sld [smem:$0x3F9E];
	_ =	swait.ge [sflag:s4], $0x0  }
0x19: {  	s7 =	sld [smem:$0x3F9F]  }
0x1a: {  	s8 =	sadd.s32 $0xFFFFE003, lr  }
0x1b: {  	s9 =	sadd.s32 $0xFFFFFEF7, lr;
	s5 =	simm.s32 $0xFFFFFFFF;
	p2 =	slt.u32 s8, $0xFFFFF086  }
0x1c: {  	p1 =	slt.u32 s9, $0xF7A;
	s5 =	simm.s32 @!p2 $0x0  }
0x1d: {  	s5 =	simm.s32 @p1 $0x1;
	p0 =	seq.s32 s7, s2  }
0x1e: {  	s7 =	smul.u32 @!p0 $0xF7A, s2;
	p2 =	seq.s32 @!p0 s5, $0x0  }
0x1f: {  	s9 =	smul.u32 $0xF7A, s1;
	s8 =	simm.s32 @!p0 $0x1BF5;
	p2 =	por !p2, p0  }
0x20: {  	[sflag:s8] =	ssyncset.s32 @!p0 $0xFFFFF086;
	s6 =	sadd.s32 @!p0 s3, s7;
	s7 =	simm.s32 @!p0 $0x108  }
0x21: {  	s3 =	sadd.s32 s3, s9;
	s6 =	sadd.s32 @!p0 $0x88, s6;
	s7 =	simm.s32 @p2 $0x1082  }
0x22: {  	[simem:s7], [sflag:s8] =	dma.local @!p0 [hbm:s6], $0xF7A  }
0x23: {  	s9 =	sor.u32 $0xD0000000, s2;
	s6 =	simm.s32 $0x108;
	_ =	swait.ge @!p0 [sflag:s8], $0x0  }
0x24: {  	s3 =	sadd.s32 $0x88, s3;
	s6 =	simm.s32 @!p1 $0x1082;
	[sflag:s4] =	ssyncset.s32 $0xFFFFF086  }
0x25: {  	[simem:s6], [sflag:s4] =	dma.local [hbm:s3], $0xF7A  }
0x26: {  	[smem:$0x3F9F] =	sst s1;
	(tag) =	ssettag s2;
	_ =	strace s9  }
0x27: {  	s1 =	sld [smem:$0x3FAF]  }
0x28: {  	s2 =	sld [smem:$0x3FB0]  }
0x29: {  	s4 =	sld [smem:$0x3FB2]  }
0x2a: {  	p0 =	seq.s32 s5, $0x0;
	s5 =	sld [smem:$0x3FB3]  }
0x2b: {  	s6 =	sld [smem:$0x3FB4]  }
0x2c: {  	s7 =	sld [smem:$0x3FB5]  }
0x2d: {  	s3 =	simm.s32 $0x108;
	s8 =	sld [smem:$0x3FB6]  }
0x2e: {  	s3 =	simm.s32 @!p0 $0x1082;
	s9 =	sld [smem:$0x3FB7]  }
0x2f: {  	lr =	sadd.s32 s0, s3;
	s0 =	sld [smem:$0x3FAE]  }
0x30: {  	s3 =	sld [smem:$0x3FB1]  }
0x31: {  	[smem:$0x3FBA] =	sst s10  }
0x32: {  	s10 =	sld [smem:$0x3FB8];
	_ =	sdelay $0x3  }
0x33: {  	p0 =	seq.s32 s10, $0x1;
	s10 =	sld [smem:$0x3FBA];
	_ =	sdelay $0x3  }
0x34: {  	[smem:$0x3FBA] =	sst s10  }
0x35: {  	s10 =	sld [smem:$0x3FB9];
	_ =	sdelay $0x3  }
0x36: {  	p1 =	seq.s32 s10, $0x1;
	s10 =	sld [smem:$0x3FBA];
	_ =	sdelay $0x3  }
0x37: {  	[smem:$0x3FBA] =	sst s10  }
0x38: {  	s10 =	sld [smem:$0x3FBB]  }
0x39: {  	_ = 	snop;
	(pc) =	sbr.ind lr, $3  }
0x3a: {  	_ = 	snop  }
0x3b: {  	_ = 	snop  }
0x3c: {  	p2 =	seq.s32 s10, $0x1;
	s10 =	sld [smem:$0x3FBA]  }
0x3d: {  	_ =	shalt  }
0x3e: {  	_ =	shalt  }
0x3f: {  	_ =	shalt  }
0x40: {  	_ =	shalt  }
0x41: {  	_ =	shalt  }
0x42: {  	_ =	shalt  }
0x43: {  	_ =	shalt  }
0x44: {  	_ =	shalt  }
0x45: {  	_ =	shalt  }
0x46: {  	_ =	shalt  }
0x47: {  	_ =	shalt  }
0x48: {  	_ =	shalt  }
0x49: {  	_ =	shalt  }
0x4a: {  	_ =	shalt  }
0x4b: {  	_ =	shalt  }
0x4c: {  	_ =	shalt  }
0x4d: {  	_ =	shalt  }
0x4e: {  	_ =	shalt  }
0x4f: {  	_ =	shalt  }
0x50: {  	_ =	shalt  }
0x51: {  	_ =	shalt  }
0x52: {  	_ =	shalt  }
0x53: {  	_ =	shalt  }
0x54: {  	_ =	shalt  }
0x55: {  	_ =	shalt  }
0x56: {  	_ =	shalt  }
0x57: {  	_ =	shalt  }
0x58: {  	_ =	shalt  }
0x59: {  	_ =	shalt  }
0x5a: {  	_ =	shalt  }
0x5b: {  	_ =	shalt  }
0x5c: {  	_ =	shalt  }
0x5d: {  	_ =	shalt  }
0x5e: {  	_ =	shalt  }
0x5f: {  	_ =	shalt  }
0x60: {  	_ =	shalt  }
0x61: {  	_ =	shalt  }
0x62: {  	_ =	shalt  }
0x63: {  	_ =	shalt  }
0x64: {  	_ =	shalt  }
0x65: {  	_ =	shalt  }
0x66: {  	_ =	shalt  }
0x67: {  	_ =	shalt  }
0x68: {  	_ =	shalt  }
0x69: {  	_ =	shalt  }
0x6a: {  	_ =	shalt  }
0x6b: {  	_ =	shalt  }
0x6c: {  	_ =	shalt  }
0x6d: {  	_ =	shalt  }
0x6e: {  	_ =	shalt  }
0x6f: {  	_ =	shalt  }
0x70: {  	_ =	shalt  }
0x71: {  	_ =	shalt  }
0x72: {  	_ =	shalt  }
0x73: {  	_ =	shalt  }
0x74: {  	_ =	shalt  }
0x75: {  	_ =	shalt  }
0x76: {  	_ =	shalt  }
0x77: {  	_ =	shalt  }
0x78: {  	_ =	shalt  }
0x79: {  	_ =	shalt  }
0x7a: {  	_ =	shalt  }
0x7b: {  	_ =	shalt  }
0x7c: {  	_ =	shalt  }
0x7d: {  	_ =	shalt  }
0x7e: {  	_ =	shalt  }
0x7f: {  	_ =	shalt  }
0x80: {  	_ =	shalt  }
0x81: {  	_ =	shalt  }
0x82: {  	_ =	shalt  }
0x83: {  	_ =	shalt  }
0x84: {  	_ =	shalt  }
0x85: {  	_ =	shalt  }
0x86: {  	_ =	shalt  }
0x87: {  	_ =	shalt  }
.Lfunc_end0:
.L_simem_size_0:
called_computation_lowered:
.L_overlay_start_0:
0x88: {  	s2 =	sld [smem:$0x3FD9]  }
0x89: {  	s3 =	sld [smem:$0x3FFE];
	_ =	sdelay $0x1  }
0x8a: {  	s1 =	srdreg.scid  }
0x8b: {  	s0 =	sand.u32 $0x1, s1  }
0x8c: {  	s17 =	sshll.u32 s0, $0xA;
	s2 =	sadd.s32 s3, s2  }
0x8d: {  	s2 =	sadd.s32 s2, s17  }
0x8e: {  	[smem:$0x3FC6] =	sst s2  }
0x8f: {  	_ = 	snop  }
0x90: {  	s2 =	sld [smem:$0x3FC8]  }
0x91: {  	s18 =	sld [smem:$0x3FD0];
	(tm) =	ssettm $0x1  }
0x92: {  	s4 =	sld [smem:$0x3FFB];
	_ =	sdelay $0x3  }
0x93: {  	_ =	strace s4  }
0x94: {  	s4 =	sld [smem:$0x3FFC];
	_ =	sdelay $0x3  }
0x95: {  	_ =	strace s4  }
0x96: {  	s4 =	sld [smem:$0x3FFD];
	_ =	sdelay $0x3  }
0x97: {  	_ =	strace s4  }
0x98: {  	_ =	strace $0x8FFFFFFF  }
0x99: {  	s19 =	sld [smem:$0x3FDB];
	_ =	sdelay $0x1  }
0x9a: {  	s5 =	simm.s32 $_scs_section_size  }
0x9b: {  	s6 =	simm.s32 $_size__tile_overlayer_lowered;
	s7 =	simm.s32 $_tile_overlayer_lowered  }
0x9c: {  	s22 =	simm.s32 $0x1BFF;
	s21 =	sshll.u32 s7, $0x1;
	s4 =	sadd.s32 s5, s19  }
0x9d: {  	s8 =	simm.s32 $0x0;
	s20 =	sshll.u32 s6, $0x1;
	s6 =	sadd.s32 s21, s4  }
0x9e: {  	[timem:s8], [sflag:s22] =	dma.local [hbm:s6], s20  }
0x9f: {  	_ =	swait.ge [sflag:s22], s20  }
0xa0: {  	s5 =	ssub.s32 $0x0, s20;
	[sflag:s22] =	ssyncset.done $0x0  }
0xa1: {  	[sflag:s22] =	ssyncadd.s32 s5;
	_ =	sdelay $0x1  }
0xa2: {  	s23 =	simm.s32 $0x1B8B  }
0xa3: {  	_ =	swait.ge [sflag:s23], $0x1  }
0xa4: {  	[sflag:s23] =	ssyncset.done $0x0  }
0xa5: {  	s25 =	simm.s32 $0x1B8E;
	s24 =	sld [smem:$0x3FFE];
	[sflag:s23] =	ssyncadd.s32 $0xFFFFFFFF  }
0xa6: {  	s26 =	simm.s32 $execute0_lowered;
	[smem:$0x3FD2] =	sst s25  }
0xa7: {  	s6 =	sshll.u32 s26, $0x1;
	_ =	strace $0x80000046;
	[dreg:$0x1] =	wrdreg $0xFFFFFFFF  }
0xa8: {  	s28 =	simm.s32 $_size_execute0_lowered;
	s4 =	sadd.s32 s4, s6;
	[dreg:$0x0] =	wrdreg $0x0  }
0xa9: {  	s6 =	sshll.u32 s28, $0x1;
	[dreg:$0x2] =	wrdreg s4  }
0xaa: {  	[dreg:$0x3] =	wrdreg s6  }
0xab: {  	[dreg:$0x4] =	wrdreg $0xC0  }
0xac: {  	_ =	task [dreg:s8], $0x5FFFF  }
0xad: {  	[dreg:$0x1] =	wrdreg $0xFFFFFFFF  }
0xae: {  	[dreg:$0x0] =	wrdreg $0x60  }
0xaf: {  	[dreg:$0x2] =	wrdreg s2  }
0xb0: {  	[dreg:$0x3] =	wrdreg s24  }
0xb1: {  	[dreg:$0x4] =	wrdreg s18  }
0xb2: {  	[dreg:$0x5] =	wrdreg $0x9  }
0xb3: {  	_ =	task.clear_ibuf [dreg:s8], $0x6FFFF;
	_ =	strace $0x90000046  }
0xb4: {  	s29 =	simm.s32 $0x9;
	_ =	strace $0x80000048  }
0xb5: {  	_ =	swait.ge [sflag:s29], $0x1  }
0xb6: {  	[sflag:s29] =	ssyncadd.s32 $0xFFFFFFFF  }
0xb7: {  	_ =	strace $0x90000048  }
0xb8: {  	_ =	sfence  }
0xb9: {  	s30 =	sld [smem:$0x0];
	_ =	sdelay $0x2  }
0xba: {  	s31 =	sshll.u32 s1, $0xD;
	s1 =	sshrl.u32 s1, $0x2  }
0xbb: {  	s3 =	sand.u32 $0x4000, s31;
	s1 =	sadd.s32 s1, s30  }
0xbc: {  	s0 =	sor.u32 s3, s0;
	s1 =	sshll.u32 s1, $0x11  }
0xbd: {  	s0 =	sor.u32 s1, s0  }
0xbe: {  	s0 =	sadd.s32 $0x8F2B, s0  }
0xbf: {  	[sflag:s0] =	ssyncadd.remote.s32 $0x1  }
0xc0: {  	_ =	sfence.sel $0xFFFF  }
0xc1: {  	[dreg:$0x0] =	wrdreg $0xFFFFFFFF;
	(pc) =	sbr.abs _section_cstart, $3  }
0xc2: {  	[dreg:$0x1] =	wrdreg $0xFFFFFFFF  }
0xc3: {  	_ =	task.clear_ibuf [dreg:s8], $0x2FFFF;
	_ =	strace $0x9FFFFFFF  }
0xc4: {  	(tm) =	ssettm $0x7FFFFFFF  }
0xc5: {  	_ =	shalt  }
tec
execute0_lowered:
.L_overlay_start_1:
0x0: {  	(tag) =	ssettag $0x1  }
0x1: {  	s1 =	rddreg [dreg:$0x0]  }
0x2: {  	s0 =	rddreg [dreg:$0x1];
	s2 =	srdreg.scid  }
0x3: {  	s9 =	stileid.u32;
	s5 =	rddreg [dreg:$0x2]  }
0x4: {  	s3 =	simm.s32 $0x0;
	s17 =	simm.s32 $0xB;
	s18 =	simm.s32 $0x80  }
0x5: {  	s19 =	simm.s32 $0x1900;
	s2 =	sand.u32 $0x1, s2;
	s4 =	sshll.u32 s9, $0x1  }
0x6: {  	s28 =	simm.s32 $0x3;
	s25 =	smul.u32 $0x32000, s9;
	s4 =	sor.u32 s2, s4  }
0x7: {  	s30 =	simm.s32 $0x11900;
	s31 =	simm.s32 $0x4;
	s6 =	smul.u32 $0x1900, s4  }
0x8: {  	s29 =	simm.s32 $0x9;
	[smem:$0x7FF] =	sst s3;
	s7 =	smul.u32 $0xC8000, s4  }
0x9: {  	_ =	strace $0x80000047;
	s8 =	ssub.s32 $0x2, s2;
	s4 =	smul.u32 $0x19000, s4  }
0xa: {  	s2 =	smul.u32 $0x19000, s2;
	s20 =	sshrl.u32 s8, $0x1;
	s6 =	sshrl.u32 s6, $0x3  }
0xb: {  	s7 =	sshrl.u32 s7, $0x3;
	s4 =	sadd.s32 s5, s4;
	s0 =	sadd.s32 s6, s0  }
0xc: {  	s6 =	ssub.s32 s8, s20;
	s7 =	sadd.s32 s5, s7;
	s21 =	sadd.s32 $0x800, s4  }
0xd: {  	s20 =	simm.s32 $0x5900;
	s0 =	sadd.s32 $0x400, s0;
	[dreg:$0x5] =	wrdreg s21  }
0xe: {  	s22 =	sadd.s32 $0x1000, s7;
	s23 =	sadd.s32 $0x1800, s7;
	s24 =	sadd.s32 $0x2000, s7  }
0xf: {  	s26 =	sadd.s32 $0x16800, s7;
	s11 =	sadd.s32 $0x17000, s7;
	[dreg:$0x4] =	wrdreg s0  }
0x10: {  	s12 =	sadd.s32 $0x17800, s7;
	s13 =	sadd.s32 $0x18000, s7;
	[dreg:$0x6] =	wrdreg s22  }
0x11: {  	s14 =	sadd.s32 $0x18800, s7;
	s15 =	smax.u32 s6, $0x1;
	[dreg:$0x7] =	wrdreg s23  }
0x12: {  	s21 =	simm.s32 $0x1;
	s6 =	simm.s32 $0x0;
	[dreg:$0x8] =	wrdreg s24  }
0x13: {  	[dreg:$0x9] =	wrdreg s26;
	s0 =	sadd.s32 s25, s5;
	s23 =	simm.s32 $0x9900  }
0x14: {  	s24 =	simm.s32 $0x2;
	s26 =	simm.s32 $0xD900;
	s22 =	simm.s32 $0x5  }
0x15: {  	s25 =	simm.s32 $0x7;
	s5 =	simm.s32 $0xA;
	s0 =	sadd.s32 s2, s0  }
0x16: {  	s2 =	simm.s32 $0x6;
	s16 =	sadd.s32 $0x4800, s0;
	s0 =	simm.s32 $0x8  }
.LBB2_1:
0x17: {  	s7 =	rddreg [dreg:$0x4]  }
0x18: {  	[tilespmem:s3], [sflag:$0xB] =	stream.linear.gather [hbm4b:s7+s3], $0x1900, $0x38;
	[tilespmem:$0x15900] =	vst v63  }
0x19: {  	_ =	swait.ge [sflag:s17], $0x1900  }
0x1a: {  	[sflag:s17] =	ssyncset.done $0x0  }
0x1b: {  	[sflag:s17] =	ssyncadd.s32 $0xFFFFE700  }
0x1c: {  	[tilespmem:s19], [sflag:$0x1] =	stream.indirect.gather [hbm4b:s1+s18], $0x80, s3, s18, $0xb8;
	[tilespmem:$0x15900] =	vst v63  }
0x1d: {  	_ = 	snop  }
0x1e: {  	[tilespmem:s20], [sflag:$0x2] =	stream.indirect.gather [hbm4b:s1+s18], $0x80, s18, s18, $0xb8;
	[tilespmem:$0x15900] =	vst v63  }
0x1f: {  	_ =	swait.ge [sflag:s21], $0x4000  }
0x20: {  	[sflag:s21] =	ssyncset.done $0x0  }
0x21: {  	[sflag:s21] =	ssyncadd.s32 $0xFFFFC000  }
0x22: {  	[hbm4b:s4+s3] =	stream.linear.scatter [tilespmem:s19], [sflag:$0x6], $0x4000, $0x38;
	[tilespmem:$0x15900] =	vst v63  }
0x23: {  	s9 =	simm.s32 $0x100  }
0x24: {  	[tilespmem:s23], [sflag:$0x3] =	stream.indirect.gather [hbm4b:s1+s18], $0x80, s9, s18, $0xb8;
	[tilespmem:$0x15900] =	vst v63  }
0x25: {  	_ =	swait.ge [sflag:s24], $0x4000  }
0x26: {  	[sflag:s24] =	ssyncset.done $0x0  }
0x27: {  	s10 =	rddreg [dreg:$0x5];
	[sflag:s24] =	ssyncadd.s32 $0xFFFFC000  }
0x28: {  	[hbm4b:s10+s3] =	stream.linear.scatter [tilespmem:s20], [sflag:$0x7], $0x4000, $0x38;
	[tilespmem:$0x15900] =	vst v63  }
0x29: {  	s8 =	simm.s32 $0x180  }
0x2a: {  	[tilespmem:s26], [sflag:$0x4] =	stream.indirect.gather [hbm4b:s1+s18], $0x80, s8, s18, $0xb8;
	[tilespmem:$0x15900] =	vst v63  }
0x2b: {  	_ =	swait.ge [sflag:s28], $0x4000  }
0x2c: {  	[sflag:s28] =	ssyncset.done $0x0  }
0x2d: {  	s9 =	rddreg [dreg:$0x6];
	[sflag:s28] =	ssyncadd.s32 $0xFFFFC000  }
0x2e: {  	[hbm4b:s9+s3] =	stream.linear.scatter [tilespmem:s23], [sflag:$0x8], $0x4000, $0x38;
	[tilespmem:$0x15900] =	vst v63  }
0x2f: {  	s10 =	simm.s32 $0x200  }
0x30: {  	[tilespmem:s30], [sflag:$0x5] =	stream.indirect.gather [hbm4b:s1+s18], $0x80, s10, s18, $0xb8;
	[tilespmem:$0x15900] =	vst v63  }
0x31: {  	_ =	swait.ge [sflag:s31], $0x4000  }
0x32: {  	[sflag:s31] =	ssyncset.done $0x0  }
0x33: {  	s8 =	rddreg [dreg:$0x7];
	[sflag:s31] =	ssyncadd.s32 $0xFFFFC000  }
0x34: {  	[hbm4b:s8+s3] =	stream.linear.scatter [tilespmem:s26], [sflag:$0x9], $0x4000, $0x38;
	[tilespmem:$0x15900] =	vst v63  }
0x35: {  	_ =	swait.ge [sflag:s2], $0x4000  }
0x36: {  	[sflag:s2] =	ssyncset.done $0x0  }
0x37: {  	s9 =	simm.s32 $0x280;
	[sflag:s2] =	ssyncadd.s32 $0xFFFFC000  }
0x38: {  	[tilespmem:s19], [sflag:$0x1] =	stream.indirect.gather [hbm4b:s1+s18], $0x80, s9, s18, $0xb8;
	[tilespmem:$0x15900] =	vst v63  }
0x39: {  	_ =	swait.ge [sflag:s22], $0x4000  }
0x3a: {  	[sflag:s22] =	ssyncset.done $0x0  }
0x3b: {  	s10 =	rddreg [dreg:$0x8];
	[sflag:s22] =	ssyncadd.s32 $0xFFFFC000  }
0x3c: {  	[hbm4b:s10+s3] =	stream.linear.scatter [tilespmem:s30], [sflag:$0xA], $0x4000, $0x38;
	[tilespmem:$0x15900] =	vst v63  }
0x3d: {  	_ =	swait.ge [sflag:s25], $0x4000  }
0x3e: {  	[sflag:s25] =	ssyncset.done $0x0  }
0x3f: {  	s8 =	simm.s32 $0x300;
	[sflag:s25] =	ssyncadd.s32 $0xFFFFC000  }
0x40: {  	[tilespmem:s20], [sflag:$0x2] =	stream.indirect.gather [hbm4b:s1+s18], $0x80, s8, s18, $0xb8;
	[tilespmem:$0x15900] =	vst v63  }
0x41: {  	_ =	swait.ge [sflag:s21], $0x4000  }
0x42: {  	[sflag:s21] =	ssyncset.done $0x0  }
0x43: {  	s9 =	sadd.s32 $0xFFFFE000, s16;
	[sflag:s21] =	ssyncadd.s32 $0xFFFFC000  }
0x44: {  	[hbm4b:s9+s3] =	stream.linear.scatter [tilespmem:s19], [sflag:$0x6], $0x4000, $0x38;
	[tilespmem:$0x15900] =	vst v63  }
0x45: {  	_ =	swait.ge [sflag:s0], $0x4000  }
0x46: {  	[sflag:s0] =	ssyncset.done $0x0  }
0x47: {  	s10 =	simm.s32 $0x380;
	[sflag:s0] =	ssyncadd.s32 $0xFFFFC000  }
0x48: {  	[tilespmem:s23], [sflag:$0x3] =	stream.indirect.gather [hbm4b:s1+s18], $0x80, s10, s18, $0xb8;
	[tilespmem:$0x15900] =	vst v63  }
0x49: {  	_ =	swait.ge [sflag:s24], $0x4000  }
0x4a: {  	[sflag:s24] =	ssyncset.done $0x0  }
0x4b: {  	s8 =	sadd.s32 $0xFFFFE800, s16;
	[sflag:s24] =	ssyncadd.s32 $0xFFFFC000  }
0x4c: {  	[hbm4b:s8+s3] =	stream.linear.scatter [tilespmem:s20], [sflag:$0x7], $0x4000, $0x38;
	[tilespmem:$0x15900] =	vst v63  }
0x4d: {  	_ =	swait.ge [sflag:s29], $0x4000  }
0x4e: {  	[sflag:s29] =	ssyncset.done $0x0  }
0x4f: {  	s9 =	simm.s32 $0x400;
	[sflag:s29] =	ssyncadd.s32 $0xFFFFC000  }
0x50: {  	[tilespmem:s26], [sflag:$0x4] =	stream.indirect.gather [hbm4b:s1+s18], $0x80, s9, s18, $0xb8;
	[tilespmem:$0x15900] =	vst v63  }
0x51: {  	_ =	swait.ge [sflag:s28], $0x4000  }
0x52: {  	[sflag:s28] =	ssyncset.done $0x0  }
0x53: {  	s10 =	sadd.s32 $0xFFFFF000, s16;
	[sflag:s28] =	ssyncadd.s32 $0xFFFFC000  }
0x54: {  	[hbm4b:s10+s3] =	stream.linear.scatter [tilespmem:s23], [sflag:$0x8], $0x4000, $0x38;
	[tilespmem:$0x15900] =	vst v63  }
0x55: {  	_ =	swait.ge [sflag:s5], $0x4000  }
0x56: {  	[sflag:s5] =	ssyncset.done $0x0  }
0x57: {  	s8 =	simm.s32 $0x480;
	[sflag:s5] =	ssyncadd.s32 $0xFFFFC000  }
0x58: {  	[tilespmem:s30], [sflag:$0x5] =	stream.indirect.gather [hbm4b:s1+s18], $0x80, s8, s18, $0xb8;
	[tilespmem:$0x15900] =	vst v63  }
0x59: {  	_ =	swait.ge [sflag:s31], $0x4000  }
0x5a: {  	[sflag:s31] =	ssyncset.done $0x0  }
0x5b: {  	s9 =	sadd.s32 $0xFFFFF800, s16;
	[sflag:s31] =	ssyncadd.s32 $0xFFFFC000  }
0x5c: {  	[hbm4b:s9+s3] =	stream.linear.scatter [tilespmem:s26], [sflag:$0x9], $0x4000, $0x38;
	[tilespmem:$0x15900] =	vst v63  }
0x5d: {  	_ =	swait.ge [sflag:s2], $0x4000  }
0x5e: {  	[sflag:s2] =	ssyncset.done $0x0  }
0x5f: {  	s10 =	simm.s32 $0x500;
	[sflag:s2] =	ssyncadd.s32 $0xFFFFC000  }
0x60: {  	[tilespmem:s19], [sflag:$0x1] =	stream.indirect.gather [hbm4b:s1+s18], $0x80, s10, s18, $0xb8;
	[tilespmem:$0x15900] =	vst v63  }
0x61: {  	_ =	swait.ge [sflag:s22], $0x4000  }
0x62: {  	[sflag:s22] =	ssyncset.done $0x0  }
0x63: {  	[sflag:s22] =	ssyncadd.s32 $0xFFFFC000  }
0x64: {  	[hbm4b:s16+s3] =	stream.linear.scatter [tilespmem:s30], [sflag:$0xA], $0x4000, $0x38;
	[tilespmem:$0x15900] =	vst v63  }
0x65: {  	_ =	swait.ge [sflag:s25], $0x4000  }
0x66: {  	s7 =	simm.s32 $0xA00;
	[sflag:s25] =	ssyncset.done $0x0  }
0x67: {  	s8 =	sadd.s32 $0x2800, s16;
	s9 =	simm.s32 $0x580;
	[sflag:s25] =	ssyncadd.s32 $0xFFFFC000  }
.LBB2_2:
0x68: {  	[tilespmem:s20], [sflag:$0x2] =	stream.indirect.gather [hbm4b:s1+s18], $0x80, s9, s18, $0xb8;
	[tilespmem:$0x15900] =	vst v63  }
0x69: {  	s9 =	smov.u32 s7  }
0x6a: {  	p0 =	sne.s32 s7, $0x4600;
	s7 =	sadd.s32 $0xA00, s7;
	_ =	swait.ge [sflag:s21], $0x4000  }
0x6b: {  	[sflag:s21] =	ssyncset.done $0x0  }
0x6c: {  	s10 =	sadd.s32 $0xFFFFE000, s8;
	[sflag:s21] =	ssyncadd.s32 $0xFFFFC000  }
0x6d: {  	[hbm4b:s10+s3] =	stream.linear.scatter [tilespmem:s19], [sflag:$0x6], $0x4000, $0x38;
	[tilespmem:$0x15900] =	vst v63  }
0x6e: {  	_ =	swait.ge [sflag:s0], $0x4000  }
0x6f: {  	s9 =	sshra.s32 s9, $0x2;
	[sflag:s0] =	ssyncset.done $0x0  }
0x70: {  	s10 =	sadd.s32 $0x380, s9;
	[sflag:s0] =	ssyncadd.s32 $0xFFFFC000  }
0x71: {  	[tilespmem:s23], [sflag:$0x3] =	stream.indirect.gather [hbm4b:s1+s18], $0x80, s10, s18, $0xb8;
	[tilespmem:$0x15900] =	vst v63  }
0x72: {  	_ =	swait.ge [sflag:s24], $0x4000  }
0x73: {  	[sflag:s24] =	ssyncset.done $0x0  }
0x74: {  	s10 =	sadd.s32 $0xFFFFE800, s8;
	[sflag:s24] =	ssyncadd.s32 $0xFFFFC000  }
0x75: {  	[hbm4b:s10+s3] =	stream.linear.scatter [tilespmem:s20], [sflag:$0x7], $0x4000, $0x38;
	[tilespmem:$0x15900] =	vst v63  }
0x76: {  	_ =	swait.ge [sflag:s29], $0x4000  }
0x77: {  	[sflag:s29] =	ssyncset.done $0x0  }
0x78: {  	s10 =	sadd.s32 $0x400, s9;
	[sflag:s29] =	ssyncadd.s32 $0xFFFFC000  }
0x79: {  	[tilespmem:s26], [sflag:$0x4] =	stream.indirect.gather [hbm4b:s1+s18], $0x80, s10, s18, $0xb8;
	[tilespmem:$0x15900] =	vst v63  }
0x7a: {  	_ =	swait.ge [sflag:s28], $0x4000  }
0x7b: {  	[sflag:s28] =	ssyncset.done $0x0  }
0x7c: {  	s10 =	sadd.s32 $0xFFFFF000, s8;
	[sflag:s28] =	ssyncadd.s32 $0xFFFFC000  }
0x7d: {  	[hbm4b:s10+s3] =	stream.linear.scatter [tilespmem:s23], [sflag:$0x8], $0x4000, $0x38;
	[tilespmem:$0x15900] =	vst v63  }
0x7e: {  	_ =	swait.ge [sflag:s5], $0x4000  }
0x7f: {  	[sflag:s5] =	ssyncset.done $0x0  }
0x80: {  	s10 =	sadd.s32 $0x480, s9;
	[sflag:s5] =	ssyncadd.s32 $0xFFFFC000  }
0x81: {  	[tilespmem:s30], [sflag:$0x5] =	stream.indirect.gather [hbm4b:s1+s18], $0x80, s10, s18, $0xb8;
	[tilespmem:$0x15900] =	vst v63  }
0x82: {  	_ =	swait.ge [sflag:s31], $0x4000  }
0x83: {  	[sflag:s31] =	ssyncset.done $0x0  }
0x84: {  	s10 =	sadd.s32 $0xFFFFF800, s8;
	[sflag:s31] =	ssyncadd.s32 $0xFFFFC000  }
0x85: {  	[hbm4b:s10+s3] =	stream.linear.scatter [tilespmem:s26], [sflag:$0x9], $0x4000, $0x38;
	[tilespmem:$0x15900] =	vst v63  }
0x86: {  	_ =	swait.ge [sflag:s2], $0x4000  }
0x87: {  	[sflag:s2] =	ssyncset.done $0x0  }
0x88: {  	s10 =	sadd.s32 $0x500, s9;
	[sflag:s2] =	ssyncadd.s32 $0xFFFFC000  }
0x89: {  	[tilespmem:s19], [sflag:$0x1] =	stream.indirect.gather [hbm4b:s1+s18], $0x80, s10, s18, $0xb8;
	[tilespmem:$0x15900] =	vst v63  }
0x8a: {  	_ =	swait.ge [sflag:s22], $0x4000  }
0x8b: {  	[sflag:s22] =	ssyncset.done $0x0  }
.Ltmp0:
0x8c: {  	[sflag:s22] =	ssyncadd.s32 $0xFFFFC000;
	(pc) =	sbr.rel @p0 .LBB2_2-.Ltmp0, $4  }
0x8d: {  	[hbm4b:s8+s3] =	stream.linear.scatter [tilespmem:s30], [sflag:$0xA], $0x4000, $0x38;
	[tilespmem:$0x15900] =	vst v63  }
0x8e: {  	_ =	swait.ge [sflag:s25], $0x4000  }
0x8f: {  	[sflag:s25] =	ssyncset.done $0x0  }
0x90: {  	s9 =	sadd.s32 $0x580, s9;
	s8 =	sadd.s32 $0x2800, s8;
	[sflag:s25] =	ssyncadd.s32 $0xFFFFC000  }
0x91: {  	[tilespmem:s20], [sflag:$0x2] =	stream.indirect.gather [hbm4b:s1+s18], $0x80, s9, s18, $0xb8;
	[tilespmem:$0x15900] =	vst v63  }
0x92: {  	_ =	swait.ge [sflag:s21], $0x4000  }
0x93: {  	[sflag:s21] =	ssyncset.done $0x0  }
0x94: {  	s7 =	rddreg [dreg:$0x9];
	[sflag:s21] =	ssyncadd.s32 $0xFFFFC000  }
0x95: {  	[hbm4b:s7+s3] =	stream.linear.scatter [tilespmem:s19], [sflag:$0x6], $0x4000, $0x38;
	[tilespmem:$0x15900] =	vst v63  }
0x96: {  	_ =	swait.ge [sflag:s0], $0x4000  }
0x97: {  	[sflag:s0] =	ssyncset.done $0x0  }
0x98: {  	s8 =	simm.s32 $0x1780;
	[sflag:s0] =	ssyncadd.s32 $0xFFFFC000  }
0x99: {  	[tilespmem:s23], [sflag:$0x3] =	stream.indirect.gather [hbm4b:s1+s18], $0x80, s8, s18, $0xb8;
	[tilespmem:$0x15900] =	vst v63  }
0x9a: {  	_ =	swait.ge [sflag:s24], $0x4000  }
0x9b: {  	[sflag:s24] =	ssyncset.done $0x0  }
0x9c: {  	[sflag:s24] =	ssyncadd.s32 $0xFFFFC000  }
0x9d: {  	[hbm4b:s11+s3] =	stream.linear.scatter [tilespmem:s20], [sflag:$0x7], $0x4000, $0x38;
	[tilespmem:$0x15900] =	vst v63  }
0x9e: {  	_ =	swait.ge [sflag:s29], $0x4000  }
0x9f: {  	[sflag:s29] =	ssyncset.done $0x0  }
0xa0: {  	s9 =	simm.s32 $0x1800;
	[sflag:s29] =	ssyncadd.s32 $0xFFFFC000  }
0xa1: {  	[tilespmem:s26], [sflag:$0x4] =	stream.indirect.gather [hbm4b:s1+s18], $0x80, s9, s18, $0xb8;
	[tilespmem:$0x15900] =	vst v63  }
0xa2: {  	_ =	swait.ge [sflag:s28], $0x4000  }
0xa3: {  	[sflag:s28] =	ssyncset.done $0x0  }
0xa4: {  	[sflag:s28] =	ssyncadd.s32 $0xFFFFC000  }
0xa5: {  	[hbm4b:s12+s3] =	stream.linear.scatter [tilespmem:s23], [sflag:$0x8], $0x4000, $0x38;
	[tilespmem:$0x15900] =	vst v63  }
0xa6: {  	_ =	swait.ge [sflag:s5], $0x4000  }
0xa7: {  	[sflag:s5] =	ssyncset.done $0x0  }
0xa8: {  	s10 =	simm.s32 $0x1880;
	[sflag:s5] =	ssyncadd.s32 $0xFFFFC000  }
0xa9: {  	[tilespmem:s30], [sflag:$0x5] =	stream.indirect.gather [hbm4b:s1+s18], $0x80, s10, s18, $0xb8;
	[tilespmem:$0x15900] =	vst v63  }
0xaa: {  	_ =	swait.ge [sflag:s31], $0x4000  }
0xab: {  	[sflag:s31] =	ssyncset.done $0x0  }
0xac: {  	[sflag:s31] =	ssyncadd.s32 $0xFFFFC000  }
0xad: {  	[hbm4b:s13+s3] =	stream.linear.scatter [tilespmem:s26], [sflag:$0x9], $0x4000, $0x38;
	[tilespmem:$0x15900] =	vst v63  }
0xae: {  	_ =	swait.ge [sflag:s22], $0x4000  }
0xaf: {  	[sflag:s22] =	ssyncset.done $0x0  }
0xb0: {  	[sflag:s22] =	ssyncadd.s32 $0xFFFFC000  }
0xb1: {  	[hbm4b:s14+s3] =	stream.linear.scatter [tilespmem:s30], [sflag:$0xA], $0x4000, $0x38;
	[tilespmem:$0x15900] =	vst v63  }
0xb2: {  	_ =	swait.ge [sflag:s2], $0x4000  }
0xb3: {  	[sflag:s2] =	ssyncset.done $0x0  }
0xb4: {  	[sflag:s2] =	ssyncadd.s32 $0xFFFFC000  }
0xb5: {  	_ =	swait.ge [sflag:s25], $0x4000  }
0xb6: {  	[sflag:s25] =	ssyncset.done $0x0  }
0xb7: {  	[sflag:s25] =	ssyncadd.s32 $0xFFFFC000  }
0xb8: {  	_ =	swait.ge [sflag:s0], $0x4000  }
0xb9: {  	[sflag:s0] =	ssyncset.done $0x0  }
0xba: {  	s6 =	sadd.s32 $0x1, s6;
	[sflag:s0] =	ssyncadd.s32 $0xFFFFC000  }
0xbb: {  	p0 =	sne.s32 s6, s15;
	_ =	swait.ge [sflag:s29], $0x4000  }
.Ltmp1:
0xbc: {  	[sflag:s29] =	ssyncset.done $0x0;
	(pc) =	sbr.rel @p0 .LBB2_1-.Ltmp1, $4  }
0xbd: {  	[sflag:s29] =	ssyncadd.s32 $0xFFFFC000  }
0xbe: {  	_ =	swait.ge [sflag:s5], $0x4000  }
0xbf: {  	[sflag:s5] =	ssyncset.done $0x0  }
0xc0: {  	[sflag:s5] =	ssyncadd.s32 $0xFFFFC000  }
0xc1: {  	_ =	sfence.sel $0x180000  }
0xc2: {  	[bflag:$0x0] =	sbarrier.arrive $0xFFFF  }
0xc3: {  	_ =	strace $0x90000047  }
0xc4: {  	s0 =	stileid.u32;
	[bflag:$0x2] =	sbarrier.arrive $0xFFFF  }
0xc5: {  	p0 =	sne.s32 s0, $0x0;
	s0 =	rddreg [dreg:$0x3]  }
0xc6: {  	s0 =	sadd.s32 @!p0 $0x100000, s0  }
0xc7: {  	[sflag:s0] =	ssyncadd.tile.s32 @!p0 $0x1;
	_ =	shalt  }
.Lfunc_end2:
_tile_overlayer_lowered:
.L_overlay_start_2:
0xc8: {  	(tag) =	ssettag $0x2  }
0xc9: {  	s0 =	rddreg [dreg:$0x0];
	s2 =	stileid.u32  }
0xca: {  	s1 =	rddreg [dreg:$0x1];
	p0 =	sne.s32 s2, $0x0  }
0xcb: {  	s3 =	rddreg [dreg:$0x2];
	[bflag:$0x3] =	sbarrier.arrive $0xFFFF;
	s2 =	simm.s32 @!p0 $0x1C0B  }
0xcc: {  	[timem:s3], [sflag:s2] =	dma.local @!p0 [hbm:s0], s1  }
0xcd: {  	s0 =	simm.s32 @!p0 $0xB  }
0xce: {  	_ =	swait.ge @!p0 [sflag:s0], s1  }
0xcf: {  	s1 =	ssub.s32 @!p0 $0x0, s1;
	[sflag:s0] =	ssyncset.done @!p0 $0x0  }
0xd0: {  	[sflag:s0] =	ssyncadd.s32 @!p0 s1  }
0xd1: {  	[bflag:$0x3] =	sbarrier.arrive $0xFFFF  }
0xd2: {  	_ =	shalt  }

</sc_bundles>
